<compile_context>
chip_gen: v7x
topology: tpu7x:2x2x1
jax: 0.10.2.dev20260603
libtpu: 0.0.44.dev20260713+nightly
codegen_flags: <defaults>
</compile_context>

<pallas_src>
import functools

import jax
import jax.numpy as jnp
from jax import lax
from jax.experimental import pallas as pl
from jax.experimental.pallas import tpu as pltpu
from jax.experimental.pallas import tpu_sc as plsc

NUM_SYMBOLS = 96
SYM_DIM = 256
B, L = 4096, 50
LP = 64

_info = plsc.get_sparse_core_info()
NC, NS = _info.num_cores, _info.num_subcores
NW = NC * NS
ROWS_W = B // NW
FLAT_W = ROWS_W * LP
NBUF = 4
LOOK = 2
NGROUP = ROWS_W // NBUF

_mesh = plsc.VectorSubcoreMesh(core_axis_name="c", subcore_axis_name="s")


@functools.partial(
    pl.kernel,
    mesh=_mesh,
    out_type=(
        jax.ShapeDtypeStruct((NW * NUM_SYMBOLS, SYM_DIM), jnp.float32),
        jax.ShapeDtypeStruct((B * LP,), jnp.int32),
    ),
    scratch_types=[
        pltpu.VMEM((ROWS_W, L), jnp.int32),
        pltpu.VMEM((FLAT_W,), jnp.int32),
    ],
)
def _prep_sc(table_hbm, idx_hbm, rep_out, idx_out, idx_v, flat_v):
    wid = lax.axis_index("s") * NC + lax.axis_index("c")
    base = wid * ROWS_W
    pltpu.sync_copy(table_hbm,
                    rep_out.at[pl.ds(wid * NUM_SYMBOLS, NUM_SYMBOLS)])
    pltpu.sync_copy(idx_hbm.at[pl.ds(base, ROWS_W)], idx_v)
    off = jnp.full((16,), 0, jnp.int32) + wid * NUM_SYMBOLS
    cols = (0, 16, 32, L - 16)

    def expand_row(r, carry):
        for c in cols:
            flat_v[pl.ds(r * LP + c, 16)] = idx_v[r, pl.ds(c, 16)] + off
        return carry

    lax.fori_loop(0, ROWS_W, expand_row, 0)
    pltpu.sync_copy(flat_v, idx_out.at[pl.ds(wid * FLAT_W, FLAT_W)])


@functools.partial(
    pl.kernel,
    mesh=_mesh,
    out_type=jax.ShapeDtypeStruct((B, L, SYM_DIM), jnp.float32),
    scratch_types=[
        pltpu.VMEM((FLAT_W,), jnp.int32),
        pltpu.VMEM((NBUF, L, SYM_DIM), jnp.float32),
        pltpu.SemaphoreType.DMA((NBUF,)),
        pltpu.SemaphoreType.DMA((NBUF,)),
    ],
)
def _gather_sc(rep_hbm, idx_hbm, out_hbm, flat_v, rows_v, gsem, ssem):
    wid = lax.axis_index("s") * NC + lax.axis_index("c")
    base = wid * ROWS_W
    pltpu.sync_copy(idx_hbm.at[pl.ds(wid * FLAT_W, FLAT_W)], flat_v)

    def gather(r, b):
        return pltpu.make_async_copy(
            rep_hbm.at[flat_v.at[pl.ds(r * LP, L)]], rows_v.at[b],
            gsem.at[b])

    def scatter(r, b):
        return pltpu.make_async_copy(
            rows_v.at[b], out_hbm.at[base + r], ssem.at[b])

    for b in range(LOOK):
        gather(b, b).start()

    def body(g, carry):
        for b in range(NBUF):
            r = g * NBUF + b
            rn = r + LOOK
            bn = (b + LOOK) % NBUF
            @pl.when(jnp.logical_and(rn >= NBUF, rn < ROWS_W))
            def _():
                scatter(rn - NBUF, bn).wait()
            @pl.when(rn < ROWS_W)
            def _():
                gather(rn, bn).start()
            gather(r, b).wait()
            scatter(r, b).start()
        return carry

    lax.fori_loop(0, NGROUP, body, 0)
    for b in range(NBUF):
        scatter(ROWS_W - NBUF + b, b).wait()


def kernel(QR, symbols):
    rep, idx_flat = _prep_sc(symbols, QR)
    return _gather_sc(rep, idx_flat)

# --- scband reference (transcript-rebuilt; emitter-appended) ---
"""Pipeline reference for scband-unifont-module-8718783610983 (READ-ONLY COPY).

The authoritative reference and input builder live on the scoring server;
editing this copy changes nothing except your own understanding.
"""

import jax, jax.numpy as jnp
import numpy as np

NUM_SYMBOLS = 96  # len(charset)=95 + 1 zero row inserted at index 0
SYM_DIM = 256     # 16x16 unifont bitmap flattened
B, L = 4096, 50


def setup_inputs(seed: int = 0) -> dict:
    key = jax.random.key(seed)
    k1, k2 = jax.random.split(key)
    # Binary glyph bitmaps, like unifont mats; row 0 is the zero pad symbol.
    symbols = (jax.random.uniform(k1, (NUM_SYMBOLS, SYM_DIM)) > 0.5).astype(jnp.float32)
    symbols = symbols.at[0].set(0.0)
    QR = jax.random.randint(k2, (B, L), 0, NUM_SYMBOLS, dtype=jnp.int32)
    return {"QR": QR, "symbols": symbols}


def reference(QR, symbols):
    # forward: self.symbols[QR] -> gather rows of the glyph table
    return jnp.take(symbols, QR, axis=0)

if __name__ == "__main__":
    import jax
    _d = setup_inputs()
    print(jax.jit(kernel)(*tuple(_d.values())))

</pallas_src>

<mosaic_0001>
#map = affine_map<(d0, d1) -> (0, 0)>
#map1 = affine_map<(d0, d1) -> (0)>
module attributes {stable_mosaic.version = 14 : i64} {
  func.func @_prep_sc(%arg0: i32, %arg1: i32, %arg2: memref<96x256xf32, #tpu.memory_space<hbm>>, %arg3: memref<4096x50xi32, #tpu.memory_space<hbm>>, %arg4: memref<3072x256xf32, #tpu.memory_space<hbm>>, %arg5: memref<262144xi32, #tpu.memory_space<hbm>>, %arg6: memref<128x50xi32, #tpu.memory_space<vmem>>, %arg7: memref<8192xi32, #tpu.memory_space<vmem>>) attributes {dimension_semantics = [#tpu.dimension_semantics<core_parallel>, #tpu.dimension_semantics<subcore_parallel>], iteration_bounds = array<i64: 2, 16>, scalar_prefetch = 0 : i64, scratch_operands = 2 : i64, tpu.core_type = #tpu.core_type<sc_vector_subcore>, window_params = [{transform_indices = #map}, {transform_indices = #map}, {transform_indices = #map}, {transform_indices = #map1}]} {
    %mul3A = arith.constant 2 : i32
    %mul3A_0 = arith.muli %arg1, %mul3A : i32
    %add3A = arith.addi %mul3A_0, %arg0 : i32
    %mul3A_1 = arith.constant 128 : i32
    %mul3A_2 = arith.muli %add3A, %mul3A_1 : i32
    %mul3A_3 = arith.constant 96 : i32
    %mul3A_4 = arith.muli %add3A, %mul3A_3 : i32
    "tpu.region"() ({
      %run_scoped3A = tpu.sem_alloc : memref<!tpu.dma_semaphore, #tpu.memory_space<semaphore_mem>>
      %dma_start3A = arith.constant 0 : i32
      %dma_start3A_17 = tpu.memref_slice %arg4[%mul3A_4, %dma_start3A] : memref<3072x256xf32, #tpu.memory_space<hbm>> -> memref<96x256xf32, #tpu.memory_space<hbm>>
      tpu.enqueue_dma source(%arg2 : memref<96x256xf32, #tpu.memory_space<hbm>>) target(%dma_start3A_17 : memref<96x256xf32, #tpu.memory_space<hbm>>) target_semaphore(%run_scoped3A : memref<!tpu.dma_semaphore, #tpu.memory_space<semaphore_mem>>)
      %dma_wait3A = arith.constant 0 : i32
      %dma_wait3A_18 = tpu.memref_slice %arg4[%mul3A_4, %dma_wait3A] : memref<3072x256xf32, #tpu.memory_space<hbm>> -> memref<96x256xf32, #tpu.memory_space<hbm>>
      tpu.wait_dma2 semaphore(%run_scoped3A : memref<!tpu.dma_semaphore, #tpu.memory_space<semaphore_mem>>) src(%arg2 : memref<96x256xf32, #tpu.memory_space<hbm>>) dst(%dma_wait3A_18 : memref<96x256xf32, #tpu.memory_space<hbm>>)
      tpu.yield
    }) : () -> ()
    "tpu.region"() ({
      %run_scoped3A = tpu.sem_alloc : memref<!tpu.dma_semaphore, #tpu.memory_space<semaphore_mem>>
      %dma_start3A = arith.constant 0 : i32
      %dma_start3A_17 = tpu.memref_slice %arg3[%mul3A_2, %dma_start3A] : memref<4096x50xi32, #tpu.memory_space<hbm>> -> memref<128x50xi32, #tpu.memory_space<hbm>>
      %dma_start3A_18 = arith.constant 0 : i32
      %dma_start3A_19 = tpu.memref_slice %arg3[%mul3A_2, %dma_start3A_18] : memref<4096x50xi32, #tpu.memory_space<hbm>> -> memref<128x50xi32, #tpu.memory_space<hbm>>
      tpu.enqueue_dma source(%dma_start3A_19 : memref<128x50xi32, #tpu.memory_space<hbm>>) target(%arg6 : memref<128x50xi32, #tpu.memory_space<vmem>>) target_semaphore(%run_scoped3A : memref<!tpu.dma_semaphore, #tpu.memory_space<semaphore_mem>>)
      %dma_wait3A = arith.constant 0 : i32
      %dma_wait3A_20 = tpu.memref_slice %arg3[%mul3A_2, %dma_wait3A] : memref<4096x50xi32, #tpu.memory_space<hbm>> -> memref<128x50xi32, #tpu.memory_space<hbm>>
      %dma_wait3A_21 = arith.constant 0 : i32
      %dma_wait3A_22 = tpu.memref_slice %arg3[%mul3A_2, %dma_wait3A_21] : memref<4096x50xi32, #tpu.memory_space<hbm>> -> memref<128x50xi32, #tpu.memory_space<hbm>>
      tpu.wait_dma2 semaphore(%run_scoped3A : memref<!tpu.dma_semaphore, #tpu.memory_space<semaphore_mem>>) src(%dma_wait3A_22 : memref<128x50xi32, #tpu.memory_space<hbm>>) dst(%arg6 : memref<128x50xi32, #tpu.memory_space<vmem>>)
      tpu.yield
    }) : () -> ()
    %broadcast_in_dim3A = arith.constant 0 : i32
    %broadcast_in_dim3A_5 = vector.broadcast %broadcast_in_dim3A : i32 to vector<16xi32>
    %mul3A_6 = arith.constant 96 : i32
    %mul3A_7 = arith.muli %add3A, %mul3A_6 : i32
    %add3A_8 = vector.broadcast %mul3A_7 : i32 to vector<16xi32>
    %add3A_9 = arith.addi %broadcast_in_dim3A_5, %add3A_8 : vector<16xi32>
    %scan3A = arith.constant 0 : i32
    %scan3A_10 = arith.constant 0 : i32
    %scan3A_11 = arith.constant 128 : i32
    %scan3A_12 = arith.addi %scan3A_10, %scan3A_11 : i32
    %scan3A_13 = arith.constant 1 : i32
    scf.for %scan3A_17 = %scan3A_10 to %scan3A_12 step %scan3A_13  : i32 {
      %get3A = arith.index_cast %scan3A_17 : i32 to index
      %get3A_18 = arith.constant 0 : index
      %get3A_19 = tpu.vector_load %arg6[%get3A, %get3A_18] {strides = array<i32>} : memref<128x50xi32, #tpu.memory_space<vmem>>, vector<1x16xi32>,
      %get3A_20 = vector.shape_cast %get3A_19 : vector<1x16xi32> to vector<16xi32>
      %add3A_21 = arith.addi %get3A_20, %add3A_9 : vector<16xi32>
      %mul3A_22 = arith.constant 64 : i32
      %mul3A_23 = arith.muli %scan3A_17, %mul3A_22 : i32
      %add3A_24 = arith.constant 0 : i32
      %add3A_25 = arith.addi %mul3A_23, %add3A_24 : i32
      %swap3A = arith.index_cast %add3A_25 : i32 to index
      %swap3A_26 = tpu.vector_load %arg7[%swap3A] {strides = array<i32>} : memref<8192xi32, #tpu.memory_space<vmem>>, vector<16xi32>,
      %swap3A_27 = vector.shape_cast %swap3A_26 : vector<16xi32> to vector<16xi32>
      %swap3A_28 = vector.shape_cast %add3A_21 : vector<16xi32> to vector<16xi32>
      tpu.vector_store %arg7[%swap3A], %swap3A_28 {strides = array<i32>} : memref<8192xi32, #tpu.memory_space<vmem>>, vector<16xi32>,
      %get3A_29 = arith.index_cast %scan3A_17 : i32 to index
      %get3A_30 = arith.constant 16 : index
      %get3A_31 = tpu.vector_load %arg6[%get3A_29, %get3A_30] {strides = array<i32>} : memref<128x50xi32, #tpu.memory_space<vmem>>, vector<1x16xi32>,
      %get3A_32 = vector.shape_cast %get3A_31 : vector<1x16xi32> to vector<16xi32>
      %add3A_33 = arith.addi %get3A_32, %add3A_9 : vector<16xi32>
      %mul3A_34 = arith.constant 64 : i32
      %mul3A_35 = arith.muli %scan3A_17, %mul3A_34 : i32
      %add3A_36 = arith.constant 16 : i32
      %add3A_37 = arith.addi %mul3A_35, %add3A_36 : i32
      %swap3A_38 = arith.index_cast %add3A_37 : i32 to index
      %swap3A_39 = tpu.vector_load %arg7[%swap3A_38] {strides = array<i32>} : memref<8192xi32, #tpu.memory_space<vmem>>, vector<16xi32>,
      %swap3A_40 = vector.shape_cast %swap3A_39 : vector<16xi32> to vector<16xi32>
      %swap3A_41 = vector.shape_cast %add3A_33 : vector<16xi32> to vector<16xi32>
      tpu.vector_store %arg7[%swap3A_38], %swap3A_41 {strides = array<i32>} : memref<8192xi32, #tpu.memory_space<vmem>>, vector<16xi32>,
      %get3A_42 = arith.index_cast %scan3A_17 : i32 to index
      %get3A_43 = arith.constant 32 : index
      %get3A_44 = tpu.vector_load %arg6[%get3A_42, %get3A_43] {strides = array<i32>} : memref<128x50xi32, #tpu.memory_space<vmem>>, vector<1x16xi32>,
      %get3A_45 = vector.shape_cast %get3A_44 : vector<1x16xi32> to vector<16xi32>
      %add3A_46 = arith.addi %get3A_45, %add3A_9 : vector<16xi32>
      %mul3A_47 = arith.constant 64 : i32
      %mul3A_48 = arith.muli %scan3A_17, %mul3A_47 : i32
      %add3A_49 = arith.constant 32 : i32
      %add3A_50 = arith.addi %mul3A_48, %add3A_49 : i32
      %swap3A_51 = arith.index_cast %add3A_50 : i32 to index
      %swap3A_52 = tpu.vector_load %arg7[%swap3A_51] {strides = array<i32>} : memref<8192xi32, #tpu.memory_space<vmem>>, vector<16xi32>,
      %swap3A_53 = vector.shape_cast %swap3A_52 : vector<16xi32> to vector<16xi32>
      %swap3A_54 = vector.shape_cast %add3A_46 : vector<16xi32> to vector<16xi32>
      tpu.vector_store %arg7[%swap3A_51], %swap3A_54 {strides = array<i32>} : memref<8192xi32, #tpu.memory_space<vmem>>, vector<16xi32>,
      %get3A_55 = arith.index_cast %scan3A_17 : i32 to index
      %get3A_56 = arith.constant 34 : index
      %get3A_57 = tpu.vector_load %arg6[%get3A_55, %get3A_56] {strides = array<i32>} : memref<128x50xi32, #tpu.memory_space<vmem>>, vector<1x16xi32>,
      %get3A_58 = vector.shape_cast %get3A_57 : vector<1x16xi32> to vector<16xi32>
      %add3A_59 = arith.addi %get3A_58, %add3A_9 : vector<16xi32>
      %mul3A_60 = arith.constant 64 : i32
      %mul3A_61 = arith.muli %scan3A_17, %mul3A_60 : i32
      %add3A_62 = arith.constant 34 : i32
      %add3A_63 = arith.addi %mul3A_61, %add3A_62 : i32
      %swap3A_64 = arith.index_cast %add3A_63 : i32 to index
      %swap3A_65 = tpu.vector_load %arg7[%swap3A_64] {strides = array<i32>} : memref<8192xi32, #tpu.memory_space<vmem>>, vector<16xi32>,
      %swap3A_66 = vector.shape_cast %swap3A_65 : vector<16xi32> to vector<16xi32>
      %swap3A_67 = vector.shape_cast %add3A_59 : vector<16xi32> to vector<16xi32>
      tpu.vector_store %arg7[%swap3A_64], %swap3A_67 {strides = array<i32>} : memref<8192xi32, #tpu.memory_space<vmem>>, vector<16xi32>,
    }
    %scan3A_14 = arith.constant 128 : i32
    %mul3A_15 = arith.constant 8192 : i32
    %mul3A_16 = arith.muli %add3A, %mul3A_15 : i32
    "tpu.region"() ({
      %run_scoped3A = tpu.sem_alloc : memref<!tpu.dma_semaphore, #tpu.memory_space<semaphore_mem>>
      %dma_start3A = tpu.memref_slice %arg5[%mul3A_16] : memref<262144xi32, #tpu.memory_space<hbm>> -> memref<8192xi32, #tpu.memory_space<hbm>>
      %dma_start3A_17 = tpu.memref_slice %arg5[%mul3A_16] : memref<262144xi32, #tpu.memory_space<hbm>> -> memref<8192xi32, #tpu.memory_space<hbm>>
      tpu.enqueue_dma source(%arg7 : memref<8192xi32, #tpu.memory_space<vmem>>) target(%dma_start3A_17 : memref<8192xi32, #tpu.memory_space<hbm>>) target_semaphore(%run_scoped3A : memref<!tpu.dma_semaphore, #tpu.memory_space<semaphore_mem>>)
      %dma_wait3A = tpu.memref_slice %arg5[%mul3A_16] : memref<262144xi32, #tpu.memory_space<hbm>> -> memref<8192xi32, #tpu.memory_space<hbm>>
      %dma_wait3A_18 = tpu.memref_slice %arg5[%mul3A_16] : memref<262144xi32, #tpu.memory_space<hbm>> -> memref<8192xi32, #tpu.memory_space<hbm>>
      tpu.wait_dma2 semaphore(%run_scoped3A : memref<!tpu.dma_semaphore, #tpu.memory_space<semaphore_mem>>) src(%arg7 : memref<8192xi32, #tpu.memory_space<vmem>>) dst(%dma_wait3A_18 : memref<8192xi32, #tpu.memory_space<hbm>>)
      tpu.yield
    }) : () -> ()
    return
  }
}

#map = affine_map<(d0, d1) -> (0, 0)>
#map1 = affine_map<(d0, d1) -> (0)>
#map2 = affine_map<(d0, d1) -> (0, 0, 0)>
module attributes {stable_mosaic.version = 14 : i64} {
  func.func @_gather_sc(%arg0: i32, %arg1: i32, %arg2: memref<3072x256xf32, #tpu.memory_space<hbm>>, %arg3: memref<262144xi32, #tpu.memory_space<hbm>>, %arg4: memref<4096x50x256xf32, #tpu.memory_space<hbm>>, %arg5: memref<8192xi32, #tpu.memory_space<vmem>>, %arg6: memref<4x50x256xf32, #tpu.memory_space<vmem>>, %arg7: memref<4x!tpu.dma_semaphore, #tpu.memory_space<semaphore_mem>>, %arg8: memref<4x!tpu.dma_semaphore, #tpu.memory_space<semaphore_mem>>) attributes {dimension_semantics = [#tpu.dimension_semantics<core_parallel>, #tpu.dimension_semantics<subcore_parallel>], iteration_bounds = array<i64: 2, 16>, scalar_prefetch = 0 : i64, scratch_operands = 4 : i64, tpu.core_type = #tpu.core_type<sc_vector_subcore>, window_params = [{transform_indices = #map}, {transform_indices = #map1}, {transform_indices = #map2}]} {
    %mul3A = arith.constant 2 : i32
    %mul3A_0 = arith.muli %arg1, %mul3A : i32
    %add3A = arith.addi %mul3A_0, %arg0 : i32
    %mul3A_1 = arith.constant 128 : i32
    %mul3A_2 = arith.muli %add3A, %mul3A_1 : i32
    %mul3A_3 = arith.constant 8192 : i32
    %mul3A_4 = arith.muli %add3A, %mul3A_3 : i32
    "tpu.region"() ({
      %run_scoped3A = tpu.sem_alloc : memref<!tpu.dma_semaphore, #tpu.memory_space<semaphore_mem>>
      %dma_start3A_122 = tpu.memref_slice %arg3[%mul3A_4] : memref<262144xi32, #tpu.memory_space<hbm>> -> memref<8192xi32, #tpu.memory_space<hbm>>
      %dma_start3A_123 = tpu.memref_slice %arg3[%mul3A_4] : memref<262144xi32, #tpu.memory_space<hbm>> -> memref<8192xi32, #tpu.memory_space<hbm>>
      tpu.enqueue_dma source(%dma_start3A_123 : memref<8192xi32, #tpu.memory_space<hbm>>) target(%arg5 : memref<8192xi32, #tpu.memory_space<vmem>>) target_semaphore(%run_scoped3A : memref<!tpu.dma_semaphore, #tpu.memory_space<semaphore_mem>>)
      %dma_wait3A_124 = tpu.memref_slice %arg3[%mul3A_4] : memref<262144xi32, #tpu.memory_space<hbm>> -> memref<8192xi32, #tpu.memory_space<hbm>>
      %dma_wait3A_125 = tpu.memref_slice %arg3[%mul3A_4] : memref<262144xi32, #tpu.memory_space<hbm>> -> memref<8192xi32, #tpu.memory_space<hbm>>
      tpu.wait_dma2 semaphore(%run_scoped3A : memref<!tpu.dma_semaphore, #tpu.memory_space<semaphore_mem>>) src(%dma_wait3A_125 : memref<8192xi32, #tpu.memory_space<hbm>>) dst(%arg5 : memref<8192xi32, #tpu.memory_space<vmem>>)
      tpu.yield
    }) : () -> ()
    %dma_start3A = arith.constant 0 : i32
    %dma_start3A_5 = arith.constant 0 : i32
    %dma_start3A_6 = arith.constant 0 : i32
    %dma_start3A_7 = arith.constant 0 : i32
    %dma_start3A_8 = tpu.memref_slice %arg6[%dma_start3A, %dma_start3A_6, %dma_start3A_7] : memref<4x50x256xf32, #tpu.memory_space<vmem>> -> memref<1x50x256xf32, #tpu.memory_space<vmem>>
    %dma_start3A_9 = tpu.memref_squeeze %dma_start3A_8 : memref<1x50x256xf32, #tpu.memory_space<vmem>> -> memref<50x256xf32, #tpu.memory_space<vmem>>
    %dma_start3A_10 = arith.constant 0 : i32
    %dma_start3A_11 = tpu.memref_slice %arg5[%dma_start3A_10] : memref<8192xi32, #tpu.memory_space<vmem>> -> memref<50xi32, #tpu.memory_space<vmem>>
    %dma_start3A_12 = arith.constant 0 : i32
    %dma_start3A_13 = arith.constant 0 : i32
    %dma_start3A_14 = tpu.memref_slice %arg2[%dma_start3A_12, %dma_start3A_13] : memref<3072x256xf32, #tpu.memory_space<hbm>> -> memref<3072x256xf32, #tpu.memory_space<hbm>>
    %dma_start3A_15 = tpu.memref_slice %arg7[%dma_start3A_5] : memref<4x!tpu.dma_semaphore, #tpu.memory_space<semaphore_mem>> -> memref<1x!tpu.dma_semaphore, #tpu.memory_space<semaphore_mem>>
    %dma_start3A_16 = tpu.memref_squeeze %dma_start3A_15 : memref<1x!tpu.dma_semaphore, #tpu.memory_space<semaphore_mem>> -> memref<!tpu.dma_semaphore, #tpu.memory_space<semaphore_mem>>
    tpu.enqueue_indirect_dma source(%dma_start3A_14 : memref<3072x256xf32, #tpu.memory_space<hbm>>) target(%dma_start3A_9 : memref<50x256xf32, #tpu.memory_space<vmem>>) offsets(%dma_start3A_11 : memref<50xi32, #tpu.memory_space<vmem>>) semaphore(%dma_start3A_16 : memref<!tpu.dma_semaphore, #tpu.memory_space<semaphore_mem>>)
    %dma_start3A_17 = arith.constant 1 : i32
    %dma_start3A_18 = arith.constant 1 : i32
    %dma_start3A_19 = arith.constant 0 : i32
    %dma_start3A_20 = arith.constant 0 : i32
    %dma_start3A_21 = tpu.memref_slice %arg6[%dma_start3A_17, %dma_start3A_19, %dma_start3A_20] : memref<4x50x256xf32, #tpu.memory_space<vmem>> -> memref<1x50x256xf32, #tpu.memory_space<vmem>>
    %dma_start3A_22 = tpu.memref_squeeze %dma_start3A_21 : memref<1x50x256xf32, #tpu.memory_space<vmem>> -> memref<50x256xf32, #tpu.memory_space<vmem>>
    %dma_start3A_23 = arith.constant 64 : i32
    %dma_start3A_24 = tpu.memref_slice %arg5[%dma_start3A_23] : memref<8192xi32, #tpu.memory_space<vmem>> -> memref<50xi32, #tpu.memory_space<vmem>>
    %dma_start3A_25 = arith.constant 0 : i32
    %dma_start3A_26 = arith.constant 0 : i32
    %dma_start3A_27 = tpu.memref_slice %arg2[%dma_start3A_25, %dma_start3A_26] : memref<3072x256xf32, #tpu.memory_space<hbm>> -> memref<3072x256xf32, #tpu.memory_space<hbm>>
    %dma_start3A_28 = tpu.memref_slice %arg7[%dma_start3A_18] : memref<4x!tpu.dma_semaphore, #tpu.memory_space<semaphore_mem>> -> memref<1x!tpu.dma_semaphore, #tpu.memory_space<semaphore_mem>>
    %dma_start3A_29 = tpu.memref_squeeze %dma_start3A_28 : memref<1x!tpu.dma_semaphore, #tpu.memory_space<semaphore_mem>> -> memref<!tpu.dma_semaphore, #tpu.memory_space<semaphore_mem>>
    tpu.enqueue_indirect_dma source(%dma_start3A_27 : memref<3072x256xf32, #tpu.memory_space<hbm>>) target(%dma_start3A_22 : memref<50x256xf32, #tpu.memory_space<vmem>>) offsets(%dma_start3A_24 : memref<50xi32, #tpu.memory_space<vmem>>) semaphore(%dma_start3A_29 : memref<!tpu.dma_semaphore, #tpu.memory_space<semaphore_mem>>)
    %scan3A = arith.constant 0 : i32
    %scan3A_30 = arith.constant 0 : i32
    %scan3A_31 = arith.constant 32 : i32
    %scan3A_32 = arith.addi %scan3A_30, %scan3A_31 : i32
    %scan3A_33 = arith.constant 1 : i32
    scf.for %scan3A_122 = %scan3A_30 to %scan3A_32 step %scan3A_33  : i32 {
      %mul3A_123 = arith.constant 4 : i32
      %mul3A_124 = arith.muli %scan3A_122, %mul3A_123 : i32
      %add3A_125 = arith.constant 0 : i32
      %add3A_126 = arith.addi %mul3A_124, %add3A_125 : i32
      %add3A_127 = arith.constant 2 : i32
      %add3A_128 = arith.addi %add3A_126, %add3A_127 : i32
      %ge3A = arith.constant 4 : i32
      %ge3A_129 = arith.cmpi sge, %add3A_128, %ge3A : i32
      %lt3A = arith.constant 128 : i32
      %lt3A_130 = arith.cmpi slt, %add3A_128, %lt3A : i32
      %and3A = arith.andi %ge3A_129, %lt3A_130 : i1
      %convert_element_type3A = arith.extui %and3A : i1 to i32
      %cond3A = arith.constant 0 : i32
      %cond3A_131 = arith.cmpi ne, %convert_element_type3A, %cond3A : i32
      scf.if %cond3A_131 {
        %sub3A = arith.constant 4 : i32
        %sub3A_334 = arith.subi %add3A_128, %sub3A : i32
        %add3A_335 = arith.addi %mul3A_2, %sub3A_334 : i32
        %dma_wait3A_336 = arith.constant 2 : i32
        %dma_wait3A_337 = arith.constant 2 : i32
        %dma_wait3A_338 = arith.constant 0 : i32
        %dma_wait3A_339 = arith.constant 0 : i32
        %dma_wait3A_340 = tpu.memref_slice %arg6[%dma_wait3A_336, %dma_wait3A_338, %dma_wait3A_339] : memref<4x50x256xf32, #tpu.memory_space<vmem>> -> memref<1x50x256xf32, #tpu.memory_space<vmem>>
        %dma_wait3A_341 = tpu.memref_squeeze %dma_wait3A_340 : memref<1x50x256xf32, #tpu.memory_space<vmem>> -> memref<50x256xf32, #tpu.memory_space<vmem>>
        %dma_wait3A_342 = arith.constant 0 : i32
        %dma_wait3A_343 = arith.constant 0 : i32
        %dma_wait3A_344 = tpu.memref_slice %arg4[%add3A_335, %dma_wait3A_342, %dma_wait3A_343] : memref<4096x50x256xf32, #tpu.memory_space<hbm>> -> memref<1x50x256xf32, #tpu.memory_space<hbm>>
        %dma_wait3A_345 = tpu.memref_squeeze %dma_wait3A_344 : memref<1x50x256xf32, #tpu.memory_space<hbm>> -> memref<50x256xf32, #tpu.memory_space<hbm>>
        %dma_wait3A_346 = tpu.memref_slice %arg8[%dma_wait3A_337] : memref<4x!tpu.dma_semaphore, #tpu.memory_space<semaphore_mem>> -> memref<1x!tpu.dma_semaphore, #tpu.memory_space<semaphore_mem>>
        %dma_wait3A_347 = tpu.memref_squeeze %dma_wait3A_346 : memref<1x!tpu.dma_semaphore, #tpu.memory_space<semaphore_mem>> -> memref<!tpu.dma_semaphore, #tpu.memory_space<semaphore_mem>>
        %dma_wait3A_348 = arith.constant 0 : i32
        %dma_wait3A_349 = arith.constant 0 : i32
        %dma_wait3A_350 = tpu.memref_slice %arg4[%add3A_335, %dma_wait3A_348, %dma_wait3A_349] : memref<4096x50x256xf32, #tpu.memory_space<hbm>> -> memref<1x50x256xf32, #tpu.memory_space<hbm>>
        %dma_wait3A_351 = tpu.memref_squeeze %dma_wait3A_350 : memref<1x50x256xf32, #tpu.memory_space<hbm>> -> memref<50x256xf32, #tpu.memory_space<hbm>>
        %dma_wait3A_352 = arith.constant 0 : i32
        %dma_wait3A_353 = arith.constant 0 : i32
        %dma_wait3A_354 = tpu.memref_slice %arg6[%dma_wait3A_336, %dma_wait3A_352, %dma_wait3A_353] : memref<4x50x256xf32, #tpu.memory_space<vmem>> -> memref<1x50x256xf32, #tpu.memory_space<vmem>>
        %dma_wait3A_355 = tpu.memref_squeeze %dma_wait3A_354 : memref<1x50x256xf32, #tpu.memory_space<vmem>> -> memref<50x256xf32, #tpu.memory_space<vmem>>
        tpu.wait_dma2 semaphore(%dma_wait3A_347 : memref<!tpu.dma_semaphore, #tpu.memory_space<semaphore_mem>>) src(%dma_wait3A_355 : memref<50x256xf32, #tpu.memory_space<vmem>>) dst(%dma_wait3A_351 : memref<50x256xf32, #tpu.memory_space<hbm>>)
      } else {
      }
      %lt3A_132 = arith.constant 128 : i32
      %lt3A_133 = arith.cmpi slt, %add3A_128, %lt3A_132 : i32
      %convert_element_type3A_134 = arith.extui %lt3A_133 : i1 to i32
      %cond3A_135 = arith.constant 0 : i32
      %cond3A_136 = arith.cmpi ne, %convert_element_type3A_134, %cond3A_135 : i32
      scf.if %cond3A_136 {
        %mul3A_334 = arith.constant 64 : i32
        %mul3A_335 = arith.muli %add3A_128, %mul3A_334 : i32
        %dma_start3A_336 = arith.constant 2 : i32
        %dma_start3A_337 = arith.constant 2 : i32
        %dma_start3A_338 = arith.constant 0 : i32
        %dma_start3A_339 = arith.constant 0 : i32
        %dma_start3A_340 = tpu.memref_slice %arg6[%dma_start3A_336, %dma_start3A_338, %dma_start3A_339] : memref<4x50x256xf32, #tpu.memory_space<vmem>> -> memref<1x50x256xf32, #tpu.memory_space<vmem>>
        %dma_start3A_341 = tpu.memref_squeeze %dma_start3A_340 : memref<1x50x256xf32, #tpu.memory_space<vmem>> -> memref<50x256xf32, #tpu.memory_space<vmem>>
        %dma_start3A_342 = tpu.memref_slice %arg5[%mul3A_335] : memref<8192xi32, #tpu.memory_space<vmem>> -> memref<50xi32, #tpu.memory_space<vmem>>
        %dma_start3A_343 = arith.constant 0 : i32
        %dma_start3A_344 = arith.constant 0 : i32
        %dma_start3A_345 = tpu.memref_slice %arg2[%dma_start3A_343, %dma_start3A_344] : memref<3072x256xf32, #tpu.memory_space<hbm>> -> memref<3072x256xf32, #tpu.memory_space<hbm>>
        %dma_start3A_346 = tpu.memref_slice %arg7[%dma_start3A_337] : memref<4x!tpu.dma_semaphore, #tpu.memory_space<semaphore_mem>> -> memref<1x!tpu.dma_semaphore, #tpu.memory_space<semaphore_mem>>
        %dma_start3A_347 = tpu.memref_squeeze %dma_start3A_346 : memref<1x!tpu.dma_semaphore, #tpu.memory_space<semaphore_mem>> -> memref<!tpu.dma_semaphore, #tpu.memory_space<semaphore_mem>>
        tpu.enqueue_indirect_dma source(%dma_start3A_345 : memref<3072x256xf32, #tpu.memory_space<hbm>>) target(%dma_start3A_341 : memref<50x256xf32, #tpu.memory_space<vmem>>) offsets(%dma_start3A_342 : memref<50xi32, #tpu.memory_space<vmem>>) semaphore(%dma_start3A_347 : memref<!tpu.dma_semaphore, #tpu.memory_space<semaphore_mem>>)
      } else {
      }
      %mul3A_137 = arith.constant 64 : i32
      %mul3A_138 = arith.muli %add3A_126, %mul3A_137 : i32
      %dma_wait3A_139 = arith.constant 0 : i32
      %dma_wait3A_140 = arith.constant 0 : i32
      %dma_wait3A_141 = arith.constant 0 : i32
      %dma_wait3A_142 = arith.constant 0 : i32
      %dma_wait3A_143 = tpu.memref_slice %arg6[%dma_wait3A_139, %dma_wait3A_141, %dma_wait3A_142] : memref<4x50x256xf32, #tpu.memory_space<vmem>> -> memref<1x50x256xf32, #tpu.memory_space<vmem>>
      %dma_wait3A_144 = tpu.memref_squeeze %dma_wait3A_143 : memref<1x50x256xf32, #tpu.memory_space<vmem>> -> memref<50x256xf32, #tpu.memory_space<vmem>>
      %dma_wait3A_145 = tpu.memref_slice %arg5[%mul3A_138] : memref<8192xi32, #tpu.memory_space<vmem>> -> memref<50xi32, #tpu.memory_space<vmem>>
      %dma_wait3A_146 = arith.constant 0 : i32
      %dma_wait3A_147 = arith.constant 0 : i32
      %dma_wait3A_148 = tpu.memref_slice %arg2[%dma_wait3A_146, %dma_wait3A_147] : memref<3072x256xf32, #tpu.memory_space<hbm>> -> memref<3072x256xf32, #tpu.memory_space<hbm>>
      %dma_wait3A_149 = tpu.memref_slice %arg7[%dma_wait3A_140] : memref<4x!tpu.dma_semaphore, #tpu.memory_space<semaphore_mem>> -> memref<1x!tpu.dma_semaphore, #tpu.memory_space<semaphore_mem>>
      %dma_wait3A_150 = tpu.memref_squeeze %dma_wait3A_149 : memref<1x!tpu.dma_semaphore, #tpu.memory_space<semaphore_mem>> -> memref<!tpu.dma_semaphore, #tpu.memory_space<semaphore_mem>>
      tpu.wait_indirect_dma semaphore(%dma_wait3A_150 : memref<!tpu.dma_semaphore, #tpu.memory_space<semaphore_mem>>) src(%dma_wait3A_148 : memref<3072x256xf32, #tpu.memory_space<hbm>>) dst(%dma_wait3A_144 : memref<50x256xf32, #tpu.memory_space<vmem>>)
      %add3A_151 = arith.addi %mul3A_2, %add3A_126 : i32
      %dma_start3A_152 = arith.constant 0 : i32
      %dma_start3A_153 = arith.constant 0 : i32
      %dma_start3A_154 = arith.constant 0 : i32
      %dma_start3A_155 = arith.constant 0 : i32
      %dma_start3A_156 = tpu.memref_slice %arg6[%dma_start3A_152, %dma_start3A_154, %dma_start3A_155] : memref<4x50x256xf32, #tpu.memory_space<vmem>> -> memref<1x50x256xf32, #tpu.memory_space<vmem>>
      %dma_start3A_157 = tpu.memref_squeeze %dma_start3A_156 : memref<1x50x256xf32, #tpu.memory_space<vmem>> -> memref<50x256xf32, #tpu.memory_space<vmem>>
      %dma_start3A_158 = arith.constant 0 : i32
      %dma_start3A_159 = arith.constant 0 : i32
      %dma_start3A_160 = tpu.memref_slice %arg4[%add3A_151, %dma_start3A_158, %dma_start3A_159] : memref<4096x50x256xf32, #tpu.memory_space<hbm>> -> memref<1x50x256xf32, #tpu.memory_space<hbm>>
      %dma_start3A_161 = tpu.memref_squeeze %dma_start3A_160 : memref<1x50x256xf32, #tpu.memory_space<hbm>> -> memref<50x256xf32, #tpu.memory_space<hbm>>
      %dma_start3A_162 = tpu.memref_slice %arg8[%dma_start3A_153] : memref<4x!tpu.dma_semaphore, #tpu.memory_space<semaphore_mem>> -> memref<1x!tpu.dma_semaphore, #tpu.memory_space<semaphore_mem>>
      %dma_start3A_163 = tpu.memref_squeeze %dma_start3A_162 : memref<1x!tpu.dma_semaphore, #tpu.memory_space<semaphore_mem>> -> memref<!tpu.dma_semaphore, #tpu.memory_space<semaphore_mem>>
      %dma_start3A_164 = arith.constant 0 : i32
      %dma_start3A_165 = arith.constant 0 : i32
      %dma_start3A_166 = tpu.memref_slice %arg4[%add3A_151, %dma_start3A_164, %dma_start3A_165] : memref<4096x50x256xf32, #tpu.memory_space<hbm>> -> memref<1x50x256xf32, #tpu.memory_space<hbm>>
      %dma_start3A_167 = tpu.memref_squeeze %dma_start3A_166 : memref<1x50x256xf32, #tpu.memory_space<hbm>> -> memref<50x256xf32, #tpu.memory_space<hbm>>
      %dma_start3A_168 = arith.constant 0 : i32
      %dma_start3A_169 = arith.constant 0 : i32
      %dma_start3A_170 = tpu.memref_slice %arg6[%dma_start3A_152, %dma_start3A_168, %dma_start3A_169] : memref<4x50x256xf32, #tpu.memory_space<vmem>> -> memref<1x50x256xf32, #tpu.memory_space<vmem>>
      %dma_start3A_171 = tpu.memref_squeeze %dma_start3A_170 : memref<1x50x256xf32, #tpu.memory_space<vmem>> -> memref<50x256xf32, #tpu.memory_space<vmem>>
      tpu.enqueue_dma source(%dma_start3A_171 : memref<50x256xf32, #tpu.memory_space<vmem>>) target(%dma_start3A_167 : memref<50x256xf32, #tpu.memory_space<hbm>>) target_semaphore(%dma_start3A_163 : memref<!tpu.dma_semaphore, #tpu.memory_space<semaphore_mem>>)
      %mul3A_172 = arith.constant 4 : i32
      %mul3A_173 = arith.muli %scan3A_122, %mul3A_172 : i32
      %add3A_174 = arith.constant 1 : i32
      %add3A_175 = arith.addi %mul3A_173, %add3A_174 : i32
      %add3A_176 = arith.constant 2 : i32
      %add3A_177 = arith.addi %add3A_175, %add3A_176 : i32
      %ge3A_178 = arith.constant 4 : i32
      %ge3A_179 = arith.cmpi sge, %add3A_177, %ge3A_178 : i32
      %lt3A_180 = arith.constant 128 : i32
      %lt3A_181 = arith.cmpi slt, %add3A_177, %lt3A_180 : i32
      %and3A_182 = arith.andi %ge3A_179, %lt3A_181 : i1
      %convert_element_type3A_183 = arith.extui %and3A_182 : i1 to i32
      %cond3A_184 = arith.constant 0 : i32
      %cond3A_185 = arith.cmpi ne, %convert_element_type3A_183, %cond3A_184 : i32
      scf.if %cond3A_185 {
        %sub3A = arith.constant 4 : i32
        %sub3A_334 = arith.subi %add3A_177, %sub3A : i32
        %add3A_335 = arith.addi %mul3A_2, %sub3A_334 : i32
        %dma_wait3A_336 = arith.constant 3 : i32
        %dma_wait3A_337 = arith.constant 3 : i32
        %dma_wait3A_338 = arith.constant 0 : i32
        %dma_wait3A_339 = arith.constant 0 : i32
        %dma_wait3A_340 = tpu.memref_slice %arg6[%dma_wait3A_336, %dma_wait3A_338, %dma_wait3A_339] : memref<4x50x256xf32, #tpu.memory_space<vmem>> -> memref<1x50x256xf32, #tpu.memory_space<vmem>>
        %dma_wait3A_341 = tpu.memref_squeeze %dma_wait3A_340 : memref<1x50x256xf32, #tpu.memory_space<vmem>> -> memref<50x256xf32, #tpu.memory_space<vmem>>
        %dma_wait3A_342 = arith.constant 0 : i32
        %dma_wait3A_343 = arith.constant 0 : i32
        %dma_wait3A_344 = tpu.memref_slice %arg4[%add3A_335, %dma_wait3A_342, %dma_wait3A_343] : memref<4096x50x256xf32, #tpu.memory_space<hbm>> -> memref<1x50x256xf32, #tpu.memory_space<hbm>>
        %dma_wait3A_345 = tpu.memref_squeeze %dma_wait3A_344 : memref<1x50x256xf32, #tpu.memory_space<hbm>> -> memref<50x256xf32, #tpu.memory_space<hbm>>
        %dma_wait3A_346 = tpu.memref_slice %arg8[%dma_wait3A_337] : memref<4x!tpu.dma_semaphore, #tpu.memory_space<semaphore_mem>> -> memref<1x!tpu.dma_semaphore, #tpu.memory_space<semaphore_mem>>
        %dma_wait3A_347 = tpu.memref_squeeze %dma_wait3A_346 : memref<1x!tpu.dma_semaphore, #tpu.memory_space<semaphore_mem>> -> memref<!tpu.dma_semaphore, #tpu.memory_space<semaphore_mem>>
        %dma_wait3A_348 = arith.constant 0 : i32
        %dma_wait3A_349 = arith.constant 0 : i32
        %dma_wait3A_350 = tpu.memref_slice %arg4[%add3A_335, %dma_wait3A_348, %dma_wait3A_349] : memref<4096x50x256xf32, #tpu.memory_space<hbm>> -> memref<1x50x256xf32, #tpu.memory_space<hbm>>
        %dma_wait3A_351 = tpu.memref_squeeze %dma_wait3A_350 : memref<1x50x256xf32, #tpu.memory_space<hbm>> -> memref<50x256xf32, #tpu.memory_space<hbm>>
        %dma_wait3A_352 = arith.constant 0 : i32
        %dma_wait3A_353 = arith.constant 0 : i32
        %dma_wait3A_354 = tpu.memref_slice %arg6[%dma_wait3A_336, %dma_wait3A_352, %dma_wait3A_353] : memref<4x50x256xf32, #tpu.memory_space<vmem>> -> memref<1x50x256xf32, #tpu.memory_space<vmem>>
        %dma_wait3A_355 = tpu.memref_squeeze %dma_wait3A_354 : memref<1x50x256xf32, #tpu.memory_space<vmem>> -> memref<50x256xf32, #tpu.memory_space<vmem>>
        tpu.wait_dma2 semaphore(%dma_wait3A_347 : memref<!tpu.dma_semaphore, #tpu.memory_space<semaphore_mem>>) src(%dma_wait3A_355 : memref<50x256xf32, #tpu.memory_space<vmem>>) dst(%dma_wait3A_351 : memref<50x256xf32, #tpu.memory_space<hbm>>)
      } else {
      }
      %lt3A_186 = arith.constant 128 : i32
      %lt3A_187 = arith.cmpi slt, %add3A_177, %lt3A_186 : i32
      %convert_element_type3A_188 = arith.extui %lt3A_187 : i1 to i32
      %cond3A_189 = arith.constant 0 : i32
      %cond3A_190 = arith.cmpi ne, %convert_element_type3A_188, %cond3A_189 : i32
      scf.if %cond3A_190 {
        %mul3A_334 = arith.constant 64 : i32
        %mul3A_335 = arith.muli %add3A_177, %mul3A_334 : i32
        %dma_start3A_336 = arith.constant 3 : i32
        %dma_start3A_337 = arith.constant 3 : i32
        %dma_start3A_338 = arith.constant 0 : i32
        %dma_start3A_339 = arith.constant 0 : i32
        %dma_start3A_340 = tpu.memref_slice %arg6[%dma_start3A_336, %dma_start3A_338, %dma_start3A_339] : memref<4x50x256xf32, #tpu.memory_space<vmem>> -> memref<1x50x256xf32, #tpu.memory_space<vmem>>
        %dma_start3A_341 = tpu.memref_squeeze %dma_start3A_340 : memref<1x50x256xf32, #tpu.memory_space<vmem>> -> memref<50x256xf32, #tpu.memory_space<vmem>>
        %dma_start3A_342 = tpu.memref_slice %arg5[%mul3A_335] : memref<8192xi32, #tpu.memory_space<vmem>> -> memref<50xi32, #tpu.memory_space<vmem>>
        %dma_start3A_343 = arith.constant 0 : i32
        %dma_start3A_344 = arith.constant 0 : i32
        %dma_start3A_345 = tpu.memref_slice %arg2[%dma_start3A_343, %dma_start3A_344] : memref<3072x256xf32, #tpu.memory_space<hbm>> -> memref<3072x256xf32, #tpu.memory_space<hbm>>
        %dma_start3A_346 = tpu.memref_slice %arg7[%dma_start3A_337] : memref<4x!tpu.dma_semaphore, #tpu.memory_space<semaphore_mem>> -> memref<1x!tpu.dma_semaphore, #tpu.memory_space<semaphore_mem>>
        %dma_start3A_347 = tpu.memref_squeeze %dma_start3A_346 : memref<1x!tpu.dma_semaphore, #tpu.memory_space<semaphore_mem>> -> memref<!tpu.dma_semaphore, #tpu.memory_space<semaphore_mem>>
        tpu.enqueue_indirect_dma source(%dma_start3A_345 : memref<3072x256xf32, #tpu.memory_space<hbm>>) target(%dma_start3A_341 : memref<50x256xf32, #tpu.memory_space<vmem>>) offsets(%dma_start3A_342 : memref<50xi32, #tpu.memory_space<vmem>>) semaphore(%dma_start3A_347 : memref<!tpu.dma_semaphore, #tpu.memory_space<semaphore_mem>>)
      } else {
      }
      %mul3A_191 = arith.constant 64 : i32
      %mul3A_192 = arith.muli %add3A_175, %mul3A_191 : i32
      %dma_wait3A_193 = arith.constant 1 : i32
      %dma_wait3A_194 = arith.constant 1 : i32
      %dma_wait3A_195 = arith.constant 0 : i32
      %dma_wait3A_196 = arith.constant 0 : i32
      %dma_wait3A_197 = tpu.memref_slice %arg6[%dma_wait3A_193, %dma_wait3A_195, %dma_wait3A_196] : memref<4x50x256xf32, #tpu.memory_space<vmem>> -> memref<1x50x256xf32, #tpu.memory_space<vmem>>
      %dma_wait3A_198 = tpu.memref_squeeze %dma_wait3A_197 : memref<1x50x256xf32, #tpu.memory_space<vmem>> -> memref<50x256xf32, #tpu.memory_space<vmem>>
      %dma_wait3A_199 = tpu.memref_slice %arg5[%mul3A_192] : memref<8192xi32, #tpu.memory_space<vmem>> -> memref<50xi32, #tpu.memory_space<vmem>>
      %dma_wait3A_200 = arith.constant 0 : i32
      %dma_wait3A_201 = arith.constant 0 : i32
      %dma_wait3A_202 = tpu.memref_slice %arg2[%dma_wait3A_200, %dma_wait3A_201] : memref<3072x256xf32, #tpu.memory_space<hbm>> -> memref<3072x256xf32, #tpu.memory_space<hbm>>
      %dma_wait3A_203 = tpu.memref_slice %arg7[%dma_wait3A_194] : memref<4x!tpu.dma_semaphore, #tpu.memory_space<semaphore_mem>> -> memref<1x!tpu.dma_semaphore, #tpu.memory_space<semaphore_mem>>
      %dma_wait3A_204 = tpu.memref_squeeze %dma_wait3A_203 : memref<1x!tpu.dma_semaphore, #tpu.memory_space<semaphore_mem>> -> memref<!tpu.dma_semaphore, #tpu.memory_space<semaphore_mem>>
      tpu.wait_indirect_dma semaphore(%dma_wait3A_204 : memref<!tpu.dma_semaphore, #tpu.memory_space<semaphore_mem>>) src(%dma_wait3A_202 : memref<3072x256xf32, #tpu.memory_space<hbm>>) dst(%dma_wait3A_198 : memref<50x256xf32, #tpu.memory_space<vmem>>)
      %add3A_205 = arith.addi %mul3A_2, %add3A_175 : i32
      %dma_start3A_206 = arith.constant 1 : i32
      %dma_start3A_207 = arith.constant 1 : i32
      %dma_start3A_208 = arith.constant 0 : i32
      %dma_start3A_209 = arith.constant 0 : i32
      %dma_start3A_210 = tpu.memref_slice %arg6[%dma_start3A_206, %dma_start3A_208, %dma_start3A_209] : memref<4x50x256xf32, #tpu.memory_space<vmem>> -> memref<1x50x256xf32, #tpu.memory_space<vmem>>
      %dma_start3A_211 = tpu.memref_squeeze %dma_start3A_210 : memref<1x50x256xf32, #tpu.memory_space<vmem>> -> memref<50x256xf32, #tpu.memory_space<vmem>>
      %dma_start3A_212 = arith.constant 0 : i32
      %dma_start3A_213 = arith.constant 0 : i32
      %dma_start3A_214 = tpu.memref_slice %arg4[%add3A_205, %dma_start3A_212, %dma_start3A_213] : memref<4096x50x256xf32, #tpu.memory_space<hbm>> -> memref<1x50x256xf32, #tpu.memory_space<hbm>>
      %dma_start3A_215 = tpu.memref_squeeze %dma_start3A_214 : memref<1x50x256xf32, #tpu.memory_space<hbm>> -> memref<50x256xf32, #tpu.memory_space<hbm>>
      %dma_start3A_216 = tpu.memref_slice %arg8[%dma_start3A_207] : memref<4x!tpu.dma_semaphore, #tpu.memory_space<semaphore_mem>> -> memref<1x!tpu.dma_semaphore, #tpu.memory_space<semaphore_mem>>
      %dma_start3A_217 = tpu.memref_squeeze %dma_start3A_216 : memref<1x!tpu.dma_semaphore, #tpu.memory_space<semaphore_mem>> -> memref<!tpu.dma_semaphore, #tpu.memory_space<semaphore_mem>>
      %dma_start3A_218 = arith.constant 0 : i32
      %dma_start3A_219 = arith.constant 0 : i32
      %dma_start3A_220 = tpu.memref_slice %arg4[%add3A_205, %dma_start3A_218, %dma_start3A_219] : memref<4096x50x256xf32, #tpu.memory_space<hbm>> -> memref<1x50x256xf32, #tpu.memory_space<hbm>>
      %dma_start3A_221 = tpu.memref_squeeze %dma_start3A_220 : memref<1x50x256xf32, #tpu.memory_space<hbm>> -> memref<50x256xf32, #tpu.memory_space<hbm>>
      %dma_start3A_222 = arith.constant 0 : i32
      %dma_start3A_223 = arith.constant 0 : i32
      %dma_start3A_224 = tpu.memref_slice %arg6[%dma_start3A_206, %dma_start3A_222, %dma_start3A_223] : memref<4x50x256xf32, #tpu.memory_space<vmem>> -> memref<1x50x256xf32, #tpu.memory_space<vmem>>
      %dma_start3A_225 = tpu.memref_squeeze %dma_start3A_224 : memref<1x50x256xf32, #tpu.memory_space<vmem>> -> memref<50x256xf32, #tpu.memory_space<vmem>>
      tpu.enqueue_dma source(%dma_start3A_225 : memref<50x256xf32, #tpu.memory_space<vmem>>) target(%dma_start3A_221 : memref<50x256xf32, #tpu.memory_space<hbm>>) target_semaphore(%dma_start3A_217 : memref<!tpu.dma_semaphore, #tpu.memory_space<semaphore_mem>>)
      %mul3A_226 = arith.constant 4 : i32
      %mul3A_227 = arith.muli %scan3A_122, %mul3A_226 : i32
      %add3A_228 = arith.constant 2 : i32
      %add3A_229 = arith.addi %mul3A_227, %add3A_228 : i32
      %add3A_230 = arith.constant 2 : i32
      %add3A_231 = arith.addi %add3A_229, %add3A_230 : i32
      %ge3A_232 = arith.constant 4 : i32
      %ge3A_233 = arith.cmpi sge, %add3A_231, %ge3A_232 : i32
      %lt3A_234 = arith.constant 128 : i32
      %lt3A_235 = arith.cmpi slt, %add3A_231, %lt3A_234 : i32
      %and3A_236 = arith.andi %ge3A_233, %lt3A_235 : i1
      %convert_element_type3A_237 = arith.extui %and3A_236 : i1 to i32
      %cond3A_238 = arith.constant 0 : i32
      %cond3A_239 = arith.cmpi ne, %convert_element_type3A_237, %cond3A_238 : i32
      scf.if %cond3A_239 {
        %sub3A = arith.constant 4 : i32
        %sub3A_334 = arith.subi %add3A_231, %sub3A : i32
        %add3A_335 = arith.addi %mul3A_2, %sub3A_334 : i32
        %dma_wait3A_336 = arith.constant 0 : i32
        %dma_wait3A_337 = arith.constant 0 : i32
        %dma_wait3A_338 = arith.constant 0 : i32
        %dma_wait3A_339 = arith.constant 0 : i32
        %dma_wait3A_340 = tpu.memref_slice %arg6[%dma_wait3A_336, %dma_wait3A_338, %dma_wait3A_339] : memref<4x50x256xf32, #tpu.memory_space<vmem>> -> memref<1x50x256xf32, #tpu.memory_space<vmem>>
        %dma_wait3A_341 = tpu.memref_squeeze %dma_wait3A_340 : memref<1x50x256xf32, #tpu.memory_space<vmem>> -> memref<50x256xf32, #tpu.memory_space<vmem>>
        %dma_wait3A_342 = arith.constant 0 : i32
        %dma_wait3A_343 = arith.constant 0 : i32
        %dma_wait3A_344 = tpu.memref_slice %arg4[%add3A_335, %dma_wait3A_342, %dma_wait3A_343] : memref<4096x50x256xf32, #tpu.memory_space<hbm>> -> memref<1x50x256xf32, #tpu.memory_space<hbm>>
        %dma_wait3A_345 = tpu.memref_squeeze %dma_wait3A_344 : memref<1x50x256xf32, #tpu.memory_space<hbm>> -> memref<50x256xf32, #tpu.memory_space<hbm>>
        %dma_wait3A_346 = tpu.memref_slice %arg8[%dma_wait3A_337] : memref<4x!tpu.dma_semaphore, #tpu.memory_space<semaphore_mem>> -> memref<1x!tpu.dma_semaphore, #tpu.memory_space<semaphore_mem>>
        %dma_wait3A_347 = tpu.memref_squeeze %dma_wait3A_346 : memref<1x!tpu.dma_semaphore, #tpu.memory_space<semaphore_mem>> -> memref<!tpu.dma_semaphore, #tpu.memory_space<semaphore_mem>>
        %dma_wait3A_348 = arith.constant 0 : i32
        %dma_wait3A_349 = arith.constant 0 : i32
        %dma_wait3A_350 = tpu.memref_slice %arg4[%add3A_335, %dma_wait3A_348, %dma_wait3A_349] : memref<4096x50x256xf32, #tpu.memory_space<hbm>> -> memref<1x50x256xf32, #tpu.memory_space<hbm>>
        %dma_wait3A_351 = tpu.memref_squeeze %dma_wait3A_350 : memref<1x50x256xf32, #tpu.memory_space<hbm>> -> memref<50x256xf32, #tpu.memory_space<hbm>>
        %dma_wait3A_352 = arith.constant 0 : i32
        %dma_wait3A_353 = arith.constant 0 : i32
        %dma_wait3A_354 = tpu.memref_slice %arg6[%dma_wait3A_336, %dma_wait3A_352, %dma_wait3A_353] : memref<4x50x256xf32, #tpu.memory_space<vmem>> -> memref<1x50x256xf32, #tpu.memory_space<vmem>>
        %dma_wait3A_355 = tpu.memref_squeeze %dma_wait3A_354 : memref<1x50x256xf32, #tpu.memory_space<vmem>> -> memref<50x256xf32, #tpu.memory_space<vmem>>
        tpu.wait_dma2 semaphore(%dma_wait3A_347 : memref<!tpu.dma_semaphore, #tpu.memory_space<semaphore_mem>>) src(%dma_wait3A_355 : memref<50x256xf32, #tpu.memory_space<vmem>>) dst(%dma_wait3A_351 : memref<50x256xf32, #tpu.memory_space<hbm>>)
      } else {
      }
      %lt3A_240 = arith.constant 128 : i32
      %lt3A_241 = arith.cmpi slt, %add3A_231, %lt3A_240 : i32
      %convert_element_type3A_242 = arith.extui %lt3A_241 : i1 to i32
      %cond3A_243 = arith.constant 0 : i32
      %cond3A_244 = arith.cmpi ne, %convert_element_type3A_242, %cond3A_243 : i32
      scf.if %cond3A_244 {
        %mul3A_334 = arith.constant 64 : i32
        %mul3A_335 = arith.muli %add3A_231, %mul3A_334 : i32
        %dma_start3A_336 = arith.constant 0 : i32
        %dma_start3A_337 = arith.constant 0 : i32
        %dma_start3A_338 = arith.constant 0 : i32
        %dma_start3A_339 = arith.constant 0 : i32
        %dma_start3A_340 = tpu.memref_slice %arg6[%dma_start3A_336, %dma_start3A_338, %dma_start3A_339] : memref<4x50x256xf32, #tpu.memory_space<vmem>> -> memref<1x50x256xf32, #tpu.memory_space<vmem>>
        %dma_start3A_341 = tpu.memref_squeeze %dma_start3A_340 : memref<1x50x256xf32, #tpu.memory_space<vmem>> -> memref<50x256xf32, #tpu.memory_space<vmem>>
        %dma_start3A_342 = tpu.memref_slice %arg5[%mul3A_335] : memref<8192xi32, #tpu.memory_space<vmem>> -> memref<50xi32, #tpu.memory_space<vmem>>
        %dma_start3A_343 = arith.constant 0 : i32
        %dma_start3A_344 = arith.constant 0 : i32
        %dma_start3A_345 = tpu.memref_slice %arg2[%dma_start3A_343, %dma_start3A_344] : memref<3072x256xf32, #tpu.memory_space<hbm>> -> memref<3072x256xf32, #tpu.memory_space<hbm>>
        %dma_start3A_346 = tpu.memref_slice %arg7[%dma_start3A_337] : memref<4x!tpu.dma_semaphore, #tpu.memory_space<semaphore_mem>> -> memref<1x!tpu.dma_semaphore, #tpu.memory_space<semaphore_mem>>
        %dma_start3A_347 = tpu.memref_squeeze %dma_start3A_346 : memref<1x!tpu.dma_semaphore, #tpu.memory_space<semaphore_mem>> -> memref<!tpu.dma_semaphore, #tpu.memory_space<semaphore_mem>>
        tpu.enqueue_indirect_dma source(%dma_start3A_345 : memref<3072x256xf32, #tpu.memory_space<hbm>>) target(%dma_start3A_341 : memref<50x256xf32, #tpu.memory_space<vmem>>) offsets(%dma_start3A_342 : memref<50xi32, #tpu.memory_space<vmem>>) semaphore(%dma_start3A_347 : memref<!tpu.dma_semaphore, #tpu.memory_space<semaphore_mem>>)
      } else {
      }
      %mul3A_245 = arith.constant 64 : i32
      %mul3A_246 = arith.muli %add3A_229, %mul3A_245 : i32
      %dma_wait3A_247 = arith.constant 2 : i32
      %dma_wait3A_248 = arith.constant 2 : i32
      %dma_wait3A_249 = arith.constant 0 : i32
      %dma_wait3A_250 = arith.constant 0 : i32
      %dma_wait3A_251 = tpu.memref_slice %arg6[%dma_wait3A_247, %dma_wait3A_249, %dma_wait3A_250] : memref<4x50x256xf32, #tpu.memory_space<vmem>> -> memref<1x50x256xf32, #tpu.memory_space<vmem>>
      %dma_wait3A_252 = tpu.memref_squeeze %dma_wait3A_251 : memref<1x50x256xf32, #tpu.memory_space<vmem>> -> memref<50x256xf32, #tpu.memory_space<vmem>>
      %dma_wait3A_253 = tpu.memref_slice %arg5[%mul3A_246] : memref<8192xi32, #tpu.memory_space<vmem>> -> memref<50xi32, #tpu.memory_space<vmem>>
      %dma_wait3A_254 = arith.constant 0 : i32
      %dma_wait3A_255 = arith.constant 0 : i32
      %dma_wait3A_256 = tpu.memref_slice %arg2[%dma_wait3A_254, %dma_wait3A_255] : memref<3072x256xf32, #tpu.memory_space<hbm>> -> memref<3072x256xf32, #tpu.memory_space<hbm>>
      %dma_wait3A_257 = tpu.memref_slice %arg7[%dma_wait3A_248] : memref<4x!tpu.dma_semaphore, #tpu.memory_space<semaphore_mem>> -> memref<1x!tpu.dma_semaphore, #tpu.memory_space<semaphore_mem>>
      %dma_wait3A_258 = tpu.memref_squeeze %dma_wait3A_257 : memref<1x!tpu.dma_semaphore, #tpu.memory_space<semaphore_mem>> -> memref<!tpu.dma_semaphore, #tpu.memory_space<semaphore_mem>>
      tpu.wait_indirect_dma semaphore(%dma_wait3A_258 : memref<!tpu.dma_semaphore, #tpu.memory_space<semaphore_mem>>) src(%dma_wait3A_256 : memref<3072x256xf32, #tpu.memory_space<hbm>>) dst(%dma_wait3A_252 : memref<50x256xf32, #tpu.memory_space<vmem>>)
      %add3A_259 = arith.addi %mul3A_2, %add3A_229 : i32
      %dma_start3A_260 = arith.constant 2 : i32
      %dma_start3A_261 = arith.constant 2 : i32
      %dma_start3A_262 = arith.constant 0 : i32
      %dma_start3A_263 = arith.constant 0 : i32
      %dma_start3A_264 = tpu.memref_slice %arg6[%dma_start3A_260, %dma_start3A_262, %dma_start3A_263] : memref<4x50x256xf32, #tpu.memory_space<vmem>> -> memref<1x50x256xf32, #tpu.memory_space<vmem>>
      %dma_start3A_265 = tpu.memref_squeeze %dma_start3A_264 : memref<1x50x256xf32, #tpu.memory_space<vmem>> -> memref<50x256xf32, #tpu.memory_space<vmem>>
      %dma_start3A_266 = arith.constant 0 : i32
      %dma_start3A_267 = arith.constant 0 : i32
      %dma_start3A_268 = tpu.memref_slice %arg4[%add3A_259, %dma_start3A_266, %dma_start3A_267] : memref<4096x50x256xf32, #tpu.memory_space<hbm>> -> memref<1x50x256xf32, #tpu.memory_space<hbm>>
      %dma_start3A_269 = tpu.memref_squeeze %dma_start3A_268 : memref<1x50x256xf32, #tpu.memory_space<hbm>> -> memref<50x256xf32, #tpu.memory_space<hbm>>
      %dma_start3A_270 = tpu.memref_slice %arg8[%dma_start3A_261] : memref<4x!tpu.dma_semaphore, #tpu.memory_space<semaphore_mem>> -> memref<1x!tpu.dma_semaphore, #tpu.memory_space<semaphore_mem>>
      %dma_start3A_271 = tpu.memref_squeeze %dma_start3A_270 : memref<1x!tpu.dma_semaphore, #tpu.memory_space<semaphore_mem>> -> memref<!tpu.dma_semaphore, #tpu.memory_space<semaphore_mem>>
      %dma_start3A_272 = arith.constant 0 : i32
      %dma_start3A_273 = arith.constant 0 : i32
      %dma_start3A_274 = tpu.memref_slice %arg4[%add3A_259, %dma_start3A_272, %dma_start3A_273] : memref<4096x50x256xf32, #tpu.memory_space<hbm>> -> memref<1x50x256xf32, #tpu.memory_space<hbm>>
      %dma_start3A_275 = tpu.memref_squeeze %dma_start3A_274 : memref<1x50x256xf32, #tpu.memory_space<hbm>> -> memref<50x256xf32, #tpu.memory_space<hbm>>
      %dma_start3A_276 = arith.constant 0 : i32
      %dma_start3A_277 = arith.constant 0 : i32
      %dma_start3A_278 = tpu.memref_slice %arg6[%dma_start3A_260, %dma_start3A_276, %dma_start3A_277] : memref<4x50x256xf32, #tpu.memory_space<vmem>> -> memref<1x50x256xf32, #tpu.memory_space<vmem>>
      %dma_start3A_279 = tpu.memref_squeeze %dma_start3A_278 : memref<1x50x256xf32, #tpu.memory_space<vmem>> -> memref<50x256xf32, #tpu.memory_space<vmem>>
      tpu.enqueue_dma source(%dma_start3A_279 : memref<50x256xf32, #tpu.memory_space<vmem>>) target(%dma_start3A_275 : memref<50x256xf32, #tpu.memory_space<hbm>>) target_semaphore(%dma_start3A_271 : memref<!tpu.dma_semaphore, #tpu.memory_space<semaphore_mem>>)
      %mul3A_280 = arith.constant 4 : i32
      %mul3A_281 = arith.muli %scan3A_122, %mul3A_280 : i32
      %add3A_282 = arith.constant 3 : i32
      %add3A_283 = arith.addi %mul3A_281, %add3A_282 : i32
      %add3A_284 = arith.constant 2 : i32
      %add3A_285 = arith.addi %add3A_283, %add3A_284 : i32
      %ge3A_286 = arith.constant 4 : i32
      %ge3A_287 = arith.cmpi sge, %add3A_285, %ge3A_286 : i32
      %lt3A_288 = arith.constant 128 : i32
      %lt3A_289 = arith.cmpi slt, %add3A_285, %lt3A_288 : i32
      %and3A_290 = arith.andi %ge3A_287, %lt3A_289 : i1
      %convert_element_type3A_291 = arith.extui %and3A_290 : i1 to i32
      %cond3A_292 = arith.constant 0 : i32
      %cond3A_293 = arith.cmpi ne, %convert_element_type3A_291, %cond3A_292 : i32
      scf.if %cond3A_293 {
        %sub3A = arith.constant 4 : i32
        %sub3A_334 = arith.subi %add3A_285, %sub3A : i32
        %add3A_335 = arith.addi %mul3A_2, %sub3A_334 : i32
        %dma_wait3A_336 = arith.constant 1 : i32
        %dma_wait3A_337 = arith.constant 1 : i32
        %dma_wait3A_338 = arith.constant 0 : i32
        %dma_wait3A_339 = arith.constant 0 : i32
        %dma_wait3A_340 = tpu.memref_slice %arg6[%dma_wait3A_336, %dma_wait3A_338, %dma_wait3A_339] : memref<4x50x256xf32, #tpu.memory_space<vmem>> -> memref<1x50x256xf32, #tpu.memory_space<vmem>>
        %dma_wait3A_341 = tpu.memref_squeeze %dma_wait3A_340 : memref<1x50x256xf32, #tpu.memory_space<vmem>> -> memref<50x256xf32, #tpu.memory_space<vmem>>
        %dma_wait3A_342 = arith.constant 0 : i32
        %dma_wait3A_343 = arith.constant 0 : i32
        %dma_wait3A_344 = tpu.memref_slice %arg4[%add3A_335, %dma_wait3A_342, %dma_wait3A_343] : memref<4096x50x256xf32, #tpu.memory_space<hbm>> -> memref<1x50x256xf32, #tpu.memory_space<hbm>>
        %dma_wait3A_345 = tpu.memref_squeeze %dma_wait3A_344 : memref<1x50x256xf32, #tpu.memory_space<hbm>> -> memref<50x256xf32, #tpu.memory_space<hbm>>
        %dma_wait3A_346 = tpu.memref_slice %arg8[%dma_wait3A_337] : memref<4x!tpu.dma_semaphore, #tpu.memory_space<semaphore_mem>> -> memref<1x!tpu.dma_semaphore, #tpu.memory_space<semaphore_mem>>
        %dma_wait3A_347 = tpu.memref_squeeze %dma_wait3A_346 : memref<1x!tpu.dma_semaphore, #tpu.memory_space<semaphore_mem>> -> memref<!tpu.dma_semaphore, #tpu.memory_space<semaphore_mem>>
        %dma_wait3A_348 = arith.constant 0 : i32
        %dma_wait3A_349 = arith.constant 0 : i32
        %dma_wait3A_350 = tpu.memref_slice %arg4[%add3A_335, %dma_wait3A_348, %dma_wait3A_349] : memref<4096x50x256xf32, #tpu.memory_space<hbm>> -> memref<1x50x256xf32, #tpu.memory_space<hbm>>
        %dma_wait3A_351 = tpu.memref_squeeze %dma_wait3A_350 : memref<1x50x256xf32, #tpu.memory_space<hbm>> -> memref<50x256xf32, #tpu.memory_space<hbm>>
        %dma_wait3A_352 = arith.constant 0 : i32
        %dma_wait3A_353 = arith.constant 0 : i32
        %dma_wait3A_354 = tpu.memref_slice %arg6[%dma_wait3A_336, %dma_wait3A_352, %dma_wait3A_353] : memref<4x50x256xf32, #tpu.memory_space<vmem>> -> memref<1x50x256xf32, #tpu.memory_space<vmem>>
        %dma_wait3A_355 = tpu.memref_squeeze %dma_wait3A_354 : memref<1x50x256xf32, #tpu.memory_space<vmem>> -> memref<50x256xf32, #tpu.memory_space<vmem>>
        tpu.wait_dma2 semaphore(%dma_wait3A_347 : memref<!tpu.dma_semaphore, #tpu.memory_space<semaphore_mem>>) src(%dma_wait3A_355 : memref<50x256xf32, #tpu.memory_space<vmem>>) dst(%dma_wait3A_351 : memref<50x256xf32, #tpu.memory_space<hbm>>)
      } else {
      }
      %lt3A_294 = arith.constant 128 : i32
      %lt3A_295 = arith.cmpi slt, %add3A_285, %lt3A_294 : i32
      %convert_element_type3A_296 = arith.extui %lt3A_295 : i1 to i32
      %cond3A_297 = arith.constant 0 : i32
      %cond3A_298 = arith.cmpi ne, %convert_element_type3A_296, %cond3A_297 : i32
      scf.if %cond3A_298 {
        %mul3A_334 = arith.constant 64 : i32
        %mul3A_335 = arith.muli %add3A_285, %mul3A_334 : i32
        %dma_start3A_336 = arith.constant 1 : i32
        %dma_start3A_337 = arith.constant 1 : i32
        %dma_start3A_338 = arith.constant 0 : i32
        %dma_start3A_339 = arith.constant 0 : i32
        %dma_start3A_340 = tpu.memref_slice %arg6[%dma_start3A_336, %dma_start3A_338, %dma_start3A_339] : memref<4x50x256xf32, #tpu.memory_space<vmem>> -> memref<1x50x256xf32, #tpu.memory_space<vmem>>
        %dma_start3A_341 = tpu.memref_squeeze %dma_start3A_340 : memref<1x50x256xf32, #tpu.memory_space<vmem>> -> memref<50x256xf32, #tpu.memory_space<vmem>>
        %dma_start3A_342 = tpu.memref_slice %arg5[%mul3A_335] : memref<8192xi32, #tpu.memory_space<vmem>> -> memref<50xi32, #tpu.memory_space<vmem>>
        %dma_start3A_343 = arith.constant 0 : i32
        %dma_start3A_344 = arith.constant 0 : i32
        %dma_start3A_345 = tpu.memref_slice %arg2[%dma_start3A_343, %dma_start3A_344] : memref<3072x256xf32, #tpu.memory_space<hbm>> -> memref<3072x256xf32, #tpu.memory_space<hbm>>
        %dma_start3A_346 = tpu.memref_slice %arg7[%dma_start3A_337] : memref<4x!tpu.dma_semaphore, #tpu.memory_space<semaphore_mem>> -> memref<1x!tpu.dma_semaphore, #tpu.memory_space<semaphore_mem>>
        %dma_start3A_347 = tpu.memref_squeeze %dma_start3A_346 : memref<1x!tpu.dma_semaphore, #tpu.memory_space<semaphore_mem>> -> memref<!tpu.dma_semaphore, #tpu.memory_space<semaphore_mem>>
        tpu.enqueue_indirect_dma source(%dma_start3A_345 : memref<3072x256xf32, #tpu.memory_space<hbm>>) target(%dma_start3A_341 : memref<50x256xf32, #tpu.memory_space<vmem>>) offsets(%dma_start3A_342 : memref<50xi32, #tpu.memory_space<vmem>>) semaphore(%dma_start3A_347 : memref<!tpu.dma_semaphore, #tpu.memory_space<semaphore_mem>>)
      } else {
      }
      %mul3A_299 = arith.constant 64 : i32
      %mul3A_300 = arith.muli %add3A_283, %mul3A_299 : i32
      %dma_wait3A_301 = arith.constant 3 : i32
      %dma_wait3A_302 = arith.constant 3 : i32
      %dma_wait3A_303 = arith.constant 0 : i32
      %dma_wait3A_304 = arith.constant 0 : i32
      %dma_wait3A_305 = tpu.memref_slice %arg6[%dma_wait3A_301, %dma_wait3A_303, %dma_wait3A_304] : memref<4x50x256xf32, #tpu.memory_space<vmem>> -> memref<1x50x256xf32, #tpu.memory_space<vmem>>
      %dma_wait3A_306 = tpu.memref_squeeze %dma_wait3A_305 : memref<1x50x256xf32, #tpu.memory_space<vmem>> -> memref<50x256xf32, #tpu.memory_space<vmem>>
      %dma_wait3A_307 = tpu.memref_slice %arg5[%mul3A_300] : memref<8192xi32, #tpu.memory_space<vmem>> -> memref<50xi32, #tpu.memory_space<vmem>>
      %dma_wait3A_308 = arith.constant 0 : i32
      %dma_wait3A_309 = arith.constant 0 : i32
      %dma_wait3A_310 = tpu.memref_slice %arg2[%dma_wait3A_308, %dma_wait3A_309] : memref<3072x256xf32, #tpu.memory_space<hbm>> -> memref<3072x256xf32, #tpu.memory_space<hbm>>
      %dma_wait3A_311 = tpu.memref_slice %arg7[%dma_wait3A_302] : memref<4x!tpu.dma_semaphore, #tpu.memory_space<semaphore_mem>> -> memref<1x!tpu.dma_semaphore, #tpu.memory_space<semaphore_mem>>
      %dma_wait3A_312 = tpu.memref_squeeze %dma_wait3A_311 : memref<1x!tpu.dma_semaphore, #tpu.memory_space<semaphore_mem>> -> memref<!tpu.dma_semaphore, #tpu.memory_space<semaphore_mem>>
      tpu.wait_indirect_dma semaphore(%dma_wait3A_312 : memref<!tpu.dma_semaphore, #tpu.memory_space<semaphore_mem>>) src(%dma_wait3A_310 : memref<3072x256xf32, #tpu.memory_space<hbm>>) dst(%dma_wait3A_306 : memref<50x256xf32, #tpu.memory_space<vmem>>)
      %add3A_313 = arith.addi %mul3A_2, %add3A_283 : i32
      %dma_start3A_314 = arith.constant 3 : i32
      %dma_start3A_315 = arith.constant 3 : i32
      %dma_start3A_316 = arith.constant 0 : i32
      %dma_start3A_317 = arith.constant 0 : i32
      %dma_start3A_318 = tpu.memref_slice %arg6[%dma_start3A_314, %dma_start3A_316, %dma_start3A_317] : memref<4x50x256xf32, #tpu.memory_space<vmem>> -> memref<1x50x256xf32, #tpu.memory_space<vmem>>
      %dma_start3A_319 = tpu.memref_squeeze %dma_start3A_318 : memref<1x50x256xf32, #tpu.memory_space<vmem>> -> memref<50x256xf32, #tpu.memory_space<vmem>>
      %dma_start3A_320 = arith.constant 0 : i32
      %dma_start3A_321 = arith.constant 0 : i32
      %dma_start3A_322 = tpu.memref_slice %arg4[%add3A_313, %dma_start3A_320, %dma_start3A_321] : memref<4096x50x256xf32, #tpu.memory_space<hbm>> -> memref<1x50x256xf32, #tpu.memory_space<hbm>>
      %dma_start3A_323 = tpu.memref_squeeze %dma_start3A_322 : memref<1x50x256xf32, #tpu.memory_space<hbm>> -> memref<50x256xf32, #tpu.memory_space<hbm>>
      %dma_start3A_324 = tpu.memref_slice %arg8[%dma_start3A_315] : memref<4x!tpu.dma_semaphore, #tpu.memory_space<semaphore_mem>> -> memref<1x!tpu.dma_semaphore, #tpu.memory_space<semaphore_mem>>
      %dma_start3A_325 = tpu.memref_squeeze %dma_start3A_324 : memref<1x!tpu.dma_semaphore, #tpu.memory_space<semaphore_mem>> -> memref<!tpu.dma_semaphore, #tpu.memory_space<semaphore_mem>>
      %dma_start3A_326 = arith.constant 0 : i32
      %dma_start3A_327 = arith.constant 0 : i32
      %dma_start3A_328 = tpu.memref_slice %arg4[%add3A_313, %dma_start3A_326, %dma_start3A_327] : memref<4096x50x256xf32, #tpu.memory_space<hbm>> -> memref<1x50x256xf32, #tpu.memory_space<hbm>>
      %dma_start3A_329 = tpu.memref_squeeze %dma_start3A_328 : memref<1x50x256xf32, #tpu.memory_space<hbm>> -> memref<50x256xf32, #tpu.memory_space<hbm>>
      %dma_start3A_330 = arith.constant 0 : i32
      %dma_start3A_331 = arith.constant 0 : i32
      %dma_start3A_332 = tpu.memref_slice %arg6[%dma_start3A_314, %dma_start3A_330, %dma_start3A_331] : memref<4x50x256xf32, #tpu.memory_space<vmem>> -> memref<1x50x256xf32, #tpu.memory_space<vmem>>
      %dma_start3A_333 = tpu.memref_squeeze %dma_start3A_332 : memref<1x50x256xf32, #tpu.memory_space<vmem>> -> memref<50x256xf32, #tpu.memory_space<vmem>>
      tpu.enqueue_dma source(%dma_start3A_333 : memref<50x256xf32, #tpu.memory_space<vmem>>) target(%dma_start3A_329 : memref<50x256xf32, #tpu.memory_space<hbm>>) target_semaphore(%dma_start3A_325 : memref<!tpu.dma_semaphore, #tpu.memory_space<semaphore_mem>>)
    }
    %scan3A_34 = arith.constant 32 : i32
    %add3A_35 = arith.constant 124 : i32
    %add3A_36 = arith.addi %mul3A_2, %add3A_35 : i32
    %dma_wait3A = arith.constant 0 : i32
    %dma_wait3A_37 = arith.constant 0 : i32
    %dma_wait3A_38 = arith.constant 0 : i32
    %dma_wait3A_39 = arith.constant 0 : i32
    %dma_wait3A_40 = tpu.memref_slice %arg6[%dma_wait3A, %dma_wait3A_38, %dma_wait3A_39] : memref<4x50x256xf32, #tpu.memory_space<vmem>> -> memref<1x50x256xf32, #tpu.memory_space<vmem>>
    %dma_wait3A_41 = tpu.memref_squeeze %dma_wait3A_40 : memref<1x50x256xf32, #tpu.memory_space<vmem>> -> memref<50x256xf32, #tpu.memory_space<vmem>>
    %dma_wait3A_42 = arith.constant 0 : i32
    %dma_wait3A_43 = arith.constant 0 : i32
    %dma_wait3A_44 = tpu.memref_slice %arg4[%add3A_36, %dma_wait3A_42, %dma_wait3A_43] : memref<4096x50x256xf32, #tpu.memory_space<hbm>> -> memref<1x50x256xf32, #tpu.memory_space<hbm>>
    %dma_wait3A_45 = tpu.memref_squeeze %dma_wait3A_44 : memref<1x50x256xf32, #tpu.memory_space<hbm>> -> memref<50x256xf32, #tpu.memory_space<hbm>>
    %dma_wait3A_46 = tpu.memref_slice %arg8[%dma_wait3A_37] : memref<4x!tpu.dma_semaphore, #tpu.memory_space<semaphore_mem>> -> memref<1x!tpu.dma_semaphore, #tpu.memory_space<semaphore_mem>>
    %dma_wait3A_47 = tpu.memref_squeeze %dma_wait3A_46 : memref<1x!tpu.dma_semaphore, #tpu.memory_space<semaphore_mem>> -> memref<!tpu.dma_semaphore, #tpu.memory_space<semaphore_mem>>
    %dma_wait3A_48 = arith.constant 0 : i32
    %dma_wait3A_49 = arith.constant 0 : i32
    %dma_wait3A_50 = tpu.memref_slice %arg4[%add3A_36, %dma_wait3A_48, %dma_wait3A_49] : memref<4096x50x256xf32, #tpu.memory_space<hbm>> -> memref<1x50x256xf32, #tpu.memory_space<hbm>>
    %dma_wait3A_51 = tpu.memref_squeeze %dma_wait3A_50 : memref<1x50x256xf32, #tpu.memory_space<hbm>> -> memref<50x256xf32, #tpu.memory_space<hbm>>
    %dma_wait3A_52 = arith.constant 0 : i32
    %dma_wait3A_53 = arith.constant 0 : i32
    %dma_wait3A_54 = tpu.memref_slice %arg6[%dma_wait3A, %dma_wait3A_52, %dma_wait3A_53] : memref<4x50x256xf32, #tpu.memory_space<vmem>> -> memref<1x50x256xf32, #tpu.memory_space<vmem>>
    %dma_wait3A_55 = tpu.memref_squeeze %dma_wait3A_54 : memref<1x50x256xf32, #tpu.memory_space<vmem>> -> memref<50x256xf32, #tpu.memory_space<vmem>>
    tpu.wait_dma2 semaphore(%dma_wait3A_47 : memref<!tpu.dma_semaphore, #tpu.memory_space<semaphore_mem>>) src(%dma_wait3A_55 : memref<50x256xf32, #tpu.memory_space<vmem>>) dst(%dma_wait3A_51 : memref<50x256xf32, #tpu.memory_space<hbm>>)
    %add3A_56 = arith.constant 125 : i32
    %add3A_57 = arith.addi %mul3A_2, %add3A_56 : i32
    %dma_wait3A_58 = arith.constant 1 : i32
    %dma_wait3A_59 = arith.constant 1 : i32
    %dma_wait3A_60 = arith.constant 0 : i32
    %dma_wait3A_61 = arith.constant 0 : i32
    %dma_wait3A_62 = tpu.memref_slice %arg6[%dma_wait3A_58, %dma_wait3A_60, %dma_wait3A_61] : memref<4x50x256xf32, #tpu.memory_space<vmem>> -> memref<1x50x256xf32, #tpu.memory_space<vmem>>
    %dma_wait3A_63 = tpu.memref_squeeze %dma_wait3A_62 : memref<1x50x256xf32, #tpu.memory_space<vmem>> -> memref<50x256xf32, #tpu.memory_space<vmem>>
    %dma_wait3A_64 = arith.constant 0 : i32
    %dma_wait3A_65 = arith.constant 0 : i32
    %dma_wait3A_66 = tpu.memref_slice %arg4[%add3A_57, %dma_wait3A_64, %dma_wait3A_65] : memref<4096x50x256xf32, #tpu.memory_space<hbm>> -> memref<1x50x256xf32, #tpu.memory_space<hbm>>
    %dma_wait3A_67 = tpu.memref_squeeze %dma_wait3A_66 : memref<1x50x256xf32, #tpu.memory_space<hbm>> -> memref<50x256xf32, #tpu.memory_space<hbm>>
    %dma_wait3A_68 = tpu.memref_slice %arg8[%dma_wait3A_59] : memref<4x!tpu.dma_semaphore, #tpu.memory_space<semaphore_mem>> -> memref<1x!tpu.dma_semaphore, #tpu.memory_space<semaphore_mem>>
    %dma_wait3A_69 = tpu.memref_squeeze %dma_wait3A_68 : memref<1x!tpu.dma_semaphore, #tpu.memory_space<semaphore_mem>> -> memref<!tpu.dma_semaphore, #tpu.memory_space<semaphore_mem>>
    %dma_wait3A_70 = arith.constant 0 : i32
    %dma_wait3A_71 = arith.constant 0 : i32
    %dma_wait3A_72 = tpu.memref_slice %arg4[%add3A_57, %dma_wait3A_70, %dma_wait3A_71] : memref<4096x50x256xf32, #tpu.memory_space<hbm>> -> memref<1x50x256xf32, #tpu.memory_space<hbm>>
    %dma_wait3A_73 = tpu.memref_squeeze %dma_wait3A_72 : memref<1x50x256xf32, #tpu.memory_space<hbm>> -> memref<50x256xf32, #tpu.memory_space<hbm>>
    %dma_wait3A_74 = arith.constant 0 : i32
    %dma_wait3A_75 = arith.constant 0 : i32
    %dma_wait3A_76 = tpu.memref_slice %arg6[%dma_wait3A_58, %dma_wait3A_74, %dma_wait3A_75] : memref<4x50x256xf32, #tpu.memory_space<vmem>> -> memref<1x50x256xf32, #tpu.memory_space<vmem>>
    %dma_wait3A_77 = tpu.memref_squeeze %dma_wait3A_76 : memref<1x50x256xf32, #tpu.memory_space<vmem>> -> memref<50x256xf32, #tpu.memory_space<vmem>>
    tpu.wait_dma2 semaphore(%dma_wait3A_69 : memref<!tpu.dma_semaphore, #tpu.memory_space<semaphore_mem>>) src(%dma_wait3A_77 : memref<50x256xf32, #tpu.memory_space<vmem>>) dst(%dma_wait3A_73 : memref<50x256xf32, #tpu.memory_space<hbm>>)
    %add3A_78 = arith.constant 126 : i32
    %add3A_79 = arith.addi %mul3A_2, %add3A_78 : i32
    %dma_wait3A_80 = arith.constant 2 : i32
    %dma_wait3A_81 = arith.constant 2 : i32
    %dma_wait3A_82 = arith.constant 0 : i32
    %dma_wait3A_83 = arith.constant 0 : i32
    %dma_wait3A_84 = tpu.memref_slice %arg6[%dma_wait3A_80, %dma_wait3A_82, %dma_wait3A_83] : memref<4x50x256xf32, #tpu.memory_space<vmem>> -> memref<1x50x256xf32, #tpu.memory_space<vmem>>
    %dma_wait3A_85 = tpu.memref_squeeze %dma_wait3A_84 : memref<1x50x256xf32, #tpu.memory_space<vmem>> -> memref<50x256xf32, #tpu.memory_space<vmem>>
    %dma_wait3A_86 = arith.constant 0 : i32
    %dma_wait3A_87 = arith.constant 0 : i32
    %dma_wait3A_88 = tpu.memref_slice %arg4[%add3A_79, %dma_wait3A_86, %dma_wait3A_87] : memref<4096x50x256xf32, #tpu.memory_space<hbm>> -> memref<1x50x256xf32, #tpu.memory_space<hbm>>
    %dma_wait3A_89 = tpu.memref_squeeze %dma_wait3A_88 : memref<1x50x256xf32, #tpu.memory_space<hbm>> -> memref<50x256xf32, #tpu.memory_space<hbm>>
    %dma_wait3A_90 = tpu.memref_slice %arg8[%dma_wait3A_81] : memref<4x!tpu.dma_semaphore, #tpu.memory_space<semaphore_mem>> -> memref<1x!tpu.dma_semaphore, #tpu.memory_space<semaphore_mem>>
    %dma_wait3A_91 = tpu.memref_squeeze %dma_wait3A_90 : memref<1x!tpu.dma_semaphore, #tpu.memory_space<semaphore_mem>> -> memref<!tpu.dma_semaphore, #tpu.memory_space<semaphore_mem>>
    %dma_wait3A_92 = arith.constant 0 : i32
    %dma_wait3A_93 = arith.constant 0 : i32
    %dma_wait3A_94 = tpu.memref_slice %arg4[%add3A_79, %dma_wait3A_92, %dma_wait3A_93] : memref<4096x50x256xf32, #tpu.memory_space<hbm>> -> memref<1x50x256xf32, #tpu.memory_space<hbm>>
    %dma_wait3A_95 = tpu.memref_squeeze %dma_wait3A_94 : memref<1x50x256xf32, #tpu.memory_space<hbm>> -> memref<50x256xf32, #tpu.memory_space<hbm>>
    %dma_wait3A_96 = arith.constant 0 : i32
    %dma_wait3A_97 = arith.constant 0 : i32
    %dma_wait3A_98 = tpu.memref_slice %arg6[%dma_wait3A_80, %dma_wait3A_96, %dma_wait3A_97] : memref<4x50x256xf32, #tpu.memory_space<vmem>> -> memref<1x50x256xf32, #tpu.memory_space<vmem>>
    %dma_wait3A_99 = tpu.memref_squeeze %dma_wait3A_98 : memref<1x50x256xf32, #tpu.memory_space<vmem>> -> memref<50x256xf32, #tpu.memory_space<vmem>>
    tpu.wait_dma2 semaphore(%dma_wait3A_91 : memref<!tpu.dma_semaphore, #tpu.memory_space<semaphore_mem>>) src(%dma_wait3A_99 : memref<50x256xf32, #tpu.memory_space<vmem>>) dst(%dma_wait3A_95 : memref<50x256xf32, #tpu.memory_space<hbm>>)
    %add3A_100 = arith.constant 127 : i32
    %add3A_101 = arith.addi %mul3A_2, %add3A_100 : i32
    %dma_wait3A_102 = arith.constant 3 : i32
    %dma_wait3A_103 = arith.constant 3 : i32
    %dma_wait3A_104 = arith.constant 0 : i32
    %dma_wait3A_105 = arith.constant 0 : i32
    %dma_wait3A_106 = tpu.memref_slice %arg6[%dma_wait3A_102, %dma_wait3A_104, %dma_wait3A_105] : memref<4x50x256xf32, #tpu.memory_space<vmem>> -> memref<1x50x256xf32, #tpu.memory_space<vmem>>
    %dma_wait3A_107 = tpu.memref_squeeze %dma_wait3A_106 : memref<1x50x256xf32, #tpu.memory_space<vmem>> -> memref<50x256xf32, #tpu.memory_space<vmem>>
    %dma_wait3A_108 = arith.constant 0 : i32
    %dma_wait3A_109 = arith.constant 0 : i32
    %dma_wait3A_110 = tpu.memref_slice %arg4[%add3A_101, %dma_wait3A_108, %dma_wait3A_109] : memref<4096x50x256xf32, #tpu.memory_space<hbm>> -> memref<1x50x256xf32, #tpu.memory_space<hbm>>
    %dma_wait3A_111 = tpu.memref_squeeze %dma_wait3A_110 : memref<1x50x256xf32, #tpu.memory_space<hbm>> -> memref<50x256xf32, #tpu.memory_space<hbm>>
    %dma_wait3A_112 = tpu.memref_slice %arg8[%dma_wait3A_103] : memref<4x!tpu.dma_semaphore, #tpu.memory_space<semaphore_mem>> -> memref<1x!tpu.dma_semaphore, #tpu.memory_space<semaphore_mem>>
    %dma_wait3A_113 = tpu.memref_squeeze %dma_wait3A_112 : memref<1x!tpu.dma_semaphore, #tpu.memory_space<semaphore_mem>> -> memref<!tpu.dma_semaphore, #tpu.memory_space<semaphore_mem>>
    %dma_wait3A_114 = arith.constant 0 : i32
    %dma_wait3A_115 = arith.constant 0 : i32
    %dma_wait3A_116 = tpu.memref_slice %arg4[%add3A_101, %dma_wait3A_114, %dma_wait3A_115] : memref<4096x50x256xf32, #tpu.memory_space<hbm>> -> memref<1x50x256xf32, #tpu.memory_space<hbm>>
    %dma_wait3A_117 = tpu.memref_squeeze %dma_wait3A_116 : memref<1x50x256xf32, #tpu.memory_space<hbm>> -> memref<50x256xf32, #tpu.memory_space<hbm>>
    %dma_wait3A_118 = arith.constant 0 : i32
    %dma_wait3A_119 = arith.constant 0 : i32
    %dma_wait3A_120 = tpu.memref_slice %arg6[%dma_wait3A_102, %dma_wait3A_118, %dma_wait3A_119] : memref<4x50x256xf32, #tpu.memory_space<vmem>> -> memref<1x50x256xf32, #tpu.memory_space<vmem>>
    %dma_wait3A_121 = tpu.memref_squeeze %dma_wait3A_120 : memref<1x50x256xf32, #tpu.memory_space<vmem>> -> memref<50x256xf32, #tpu.memory_space<vmem>>
    tpu.wait_dma2 semaphore(%dma_wait3A_113 : memref<!tpu.dma_semaphore, #tpu.memory_space<semaphore_mem>>) src(%dma_wait3A_121 : memref<50x256xf32, #tpu.memory_space<vmem>>) dst(%dma_wait3A_117 : memref<50x256xf32, #tpu.memory_space<hbm>>)
    return
  }
}

</mosaic_0001>

<sc_bundles>
// kernel: kernel.4.cloned.1.call-start
scs
__scs_entry_jumppad:
0x0: {  	(pc) =	sbr.rel $0x88, $3  }
0x1: {  	(tag) =	ssettag $0x0;
	lr =	simm.s32 $0x1  }
0x2: {  	[smem:$0x3F9F] =	sst lr;
	_ =	strace $0xD0000000  }
0x3: {  	_ = 	snop  }
0x4: {  	_ = 	snop  }
0x5: {  	_ = 	snop  }
0x6: {  	_ = 	snop  }
0x7: {  	_ = 	snop  }
__scs_overlays_trampoline_lowered:
0x8: {  	[smem:$0x3FAE] =	sst s0  }
0x9: {  	[smem:$0x3FAF] =	sst s1  }
0xa: {  	[smem:$0x3FB0] =	sst s2  }
0xb: {  	[smem:$0x3FB1] =	sst s3  }
0xc: {  	[smem:$0x3FB2] =	sst s4  }
0xd: {  	[smem:$0x3FB3] =	sst s5  }
0xe: {  	[smem:$0x3FB4] =	sst s6  }
0xf: {  	[smem:$0x3FB5] =	sst s7  }
0x10: {  	[smem:$0x3FB6] =	sst s8  }
0x11: {  	[smem:$0x3FB7] =	sst s9;
	s0 =	simm.s32 @!p0 $0x0  }
0x12: {  	s1 =	sld [smem:$0x3F9D];
	s0 =	simm.s32 @p0 $0x1  }
0x13: {  	[smem:$0x3FB8] =	sst s0;
	s0 =	simm.s32 @!p1 $0x0  }
0x14: {  	s2 =	sld [smem:$0x3F9C];
	s0 =	simm.s32 @p1 $0x1  }
0x15: {  	[smem:$0x3FB9] =	sst s0;
	s0 =	simm.s32 @!p2 $0x0  }
0x16: {  	s3 =	sld [smem:$0x3FDB];
	s0 =	simm.s32 @p2 $0x1  }
0x17: {  	s4 =	simm.s32 $0x1BF5;
	[smem:$0x3FBB] =	sst s0  }
0x18: {  	s0 =	sld [smem:$0x3F9E];
	_ =	swait.ge [sflag:s4], $0x0  }
0x19: {  	s7 =	sld [smem:$0x3F9F]  }
0x1a: {  	s8 =	sadd.s32 $0xFFFFE003, lr  }
0x1b: {  	s9 =	sadd.s32 $0xFFFFFEF7, lr;
	s5 =	simm.s32 $0xFFFFFFFF;
	p2 =	slt.u32 s8, $0xFFFFF086  }
0x1c: {  	p1 =	slt.u32 s9, $0xF7A;
	s5 =	simm.s32 @!p2 $0x0  }
0x1d: {  	s5 =	simm.s32 @p1 $0x1;
	p0 =	seq.s32 s7, s2  }
0x1e: {  	s7 =	smul.u32 @!p0 $0xF7A, s2;
	p2 =	seq.s32 @!p0 s5, $0x0  }
0x1f: {  	s9 =	smul.u32 $0xF7A, s1;
	s8 =	simm.s32 @!p0 $0x1BF5;
	p2 =	por !p2, p0  }
0x20: {  	[sflag:s8] =	ssyncset.s32 @!p0 $0xFFFFF086;
	s6 =	sadd.s32 @!p0 s3, s7;
	s7 =	simm.s32 @!p0 $0x108  }
0x21: {  	s3 =	sadd.s32 s3, s9;
	s6 =	sadd.s32 @!p0 $0x88, s6;
	s7 =	simm.s32 @p2 $0x1082  }
0x22: {  	[simem:s7], [sflag:s8] =	dma.local @!p0 [hbm:s6], $0xF7A  }
0x23: {  	s9 =	sor.u32 $0xD0000000, s2;
	s6 =	simm.s32 $0x108;
	_ =	swait.ge @!p0 [sflag:s8], $0x0  }
0x24: {  	s3 =	sadd.s32 $0x88, s3;
	s6 =	simm.s32 @!p1 $0x1082;
	[sflag:s4] =	ssyncset.s32 $0xFFFFF086  }
0x25: {  	[simem:s6], [sflag:s4] =	dma.local [hbm:s3], $0xF7A  }
0x26: {  	[smem:$0x3F9F] =	sst s1;
	(tag) =	ssettag s2;
	_ =	strace s9  }
0x27: {  	s1 =	sld [smem:$0x3FAF]  }
0x28: {  	s2 =	sld [smem:$0x3FB0]  }
0x29: {  	s4 =	sld [smem:$0x3FB2]  }
0x2a: {  	p0 =	seq.s32 s5, $0x0;
	s5 =	sld [smem:$0x3FB3]  }
0x2b: {  	s6 =	sld [smem:$0x3FB4]  }
0x2c: {  	s7 =	sld [smem:$0x3FB5]  }
0x2d: {  	s3 =	simm.s32 $0x108;
	s8 =	sld [smem:$0x3FB6]  }
0x2e: {  	s3 =	simm.s32 @!p0 $0x1082;
	s9 =	sld [smem:$0x3FB7]  }
0x2f: {  	lr =	sadd.s32 s0, s3;
	s0 =	sld [smem:$0x3FAE]  }
0x30: {  	s3 =	sld [smem:$0x3FB1]  }
0x31: {  	[smem:$0x3FBA] =	sst s10  }
0x32: {  	s10 =	sld [smem:$0x3FB8];
	_ =	sdelay $0x3  }
0x33: {  	p0 =	seq.s32 s10, $0x1;
	s10 =	sld [smem:$0x3FBA];
	_ =	sdelay $0x3  }
0x34: {  	[smem:$0x3FBA] =	sst s10  }
0x35: {  	s10 =	sld [smem:$0x3FB9];
	_ =	sdelay $0x3  }
0x36: {  	p1 =	seq.s32 s10, $0x1;
	s10 =	sld [smem:$0x3FBA];
	_ =	sdelay $0x3  }
0x37: {  	[smem:$0x3FBA] =	sst s10  }
0x38: {  	s10 =	sld [smem:$0x3FBB]  }
0x39: {  	_ = 	snop;
	(pc) =	sbr.ind lr, $3  }
0x3a: {  	_ = 	snop  }
0x3b: {  	_ = 	snop  }
0x3c: {  	p2 =	seq.s32 s10, $0x1;
	s10 =	sld [smem:$0x3FBA]  }
0x3d: {  	_ =	shalt  }
0x3e: {  	_ =	shalt  }
0x3f: {  	_ =	shalt  }
0x40: {  	_ =	shalt  }
0x41: {  	_ =	shalt  }
0x42: {  	_ =	shalt  }
0x43: {  	_ =	shalt  }
0x44: {  	_ =	shalt  }
0x45: {  	_ =	shalt  }
0x46: {  	_ =	shalt  }
0x47: {  	_ =	shalt  }
0x48: {  	_ =	shalt  }
0x49: {  	_ =	shalt  }
0x4a: {  	_ =	shalt  }
0x4b: {  	_ =	shalt  }
0x4c: {  	_ =	shalt  }
0x4d: {  	_ =	shalt  }
0x4e: {  	_ =	shalt  }
0x4f: {  	_ =	shalt  }
0x50: {  	_ =	shalt  }
0x51: {  	_ =	shalt  }
0x52: {  	_ =	shalt  }
0x53: {  	_ =	shalt  }
0x54: {  	_ =	shalt  }
0x55: {  	_ =	shalt  }
0x56: {  	_ =	shalt  }
0x57: {  	_ =	shalt  }
0x58: {  	_ =	shalt  }
0x59: {  	_ =	shalt  }
0x5a: {  	_ =	shalt  }
0x5b: {  	_ =	shalt  }
0x5c: {  	_ =	shalt  }
0x5d: {  	_ =	shalt  }
0x5e: {  	_ =	shalt  }
0x5f: {  	_ =	shalt  }
0x60: {  	_ =	shalt  }
0x61: {  	_ =	shalt  }
0x62: {  	_ =	shalt  }
0x63: {  	_ =	shalt  }
0x64: {  	_ =	shalt  }
0x65: {  	_ =	shalt  }
0x66: {  	_ =	shalt  }
0x67: {  	_ =	shalt  }
0x68: {  	_ =	shalt  }
0x69: {  	_ =	shalt  }
0x6a: {  	_ =	shalt  }
0x6b: {  	_ =	shalt  }
0x6c: {  	_ =	shalt  }
0x6d: {  	_ =	shalt  }
0x6e: {  	_ =	shalt  }
0x6f: {  	_ =	shalt  }
0x70: {  	_ =	shalt  }
0x71: {  	_ =	shalt  }
0x72: {  	_ =	shalt  }
0x73: {  	_ =	shalt  }
0x74: {  	_ =	shalt  }
0x75: {  	_ =	shalt  }
0x76: {  	_ =	shalt  }
0x77: {  	_ =	shalt  }
0x78: {  	_ =	shalt  }
0x79: {  	_ =	shalt  }
0x7a: {  	_ =	shalt  }
0x7b: {  	_ =	shalt  }
0x7c: {  	_ =	shalt  }
0x7d: {  	_ =	shalt  }
0x7e: {  	_ =	shalt  }
0x7f: {  	_ =	shalt  }
0x80: {  	_ =	shalt  }
0x81: {  	_ =	shalt  }
0x82: {  	_ =	shalt  }
0x83: {  	_ =	shalt  }
0x84: {  	_ =	shalt  }
0x85: {  	_ =	shalt  }
0x86: {  	_ =	shalt  }
0x87: {  	_ =	shalt  }
.Lfunc_end0:
.L_simem_size_0:
called_computation_lowered:
.L_overlay_start_0:
0x88: {  	s2 =	sld [smem:$0x3FD9]  }
0x89: {  	s3 =	sld [smem:$0x3FFE];
	_ =	sdelay $0x1  }
0x8a: {  	s1 =	srdreg.scid  }
0x8b: {  	s0 =	sand.u32 $0x1, s1  }
0x8c: {  	s17 =	sshll.u32 s0, $0xA;
	s2 =	sadd.s32 s3, s2  }
0x8d: {  	s2 =	sadd.s32 s2, s17  }
0x8e: {  	[smem:$0x3FC6] =	sst s2  }
0x8f: {  	_ = 	snop  }
0x90: {  	s2 =	sld [smem:$0x3FC8]  }
0x91: {  	s18 =	sld [smem:$0x3FD0];
	(tm) =	ssettm $0x1  }
0x92: {  	s4 =	sld [smem:$0x3FFB];
	_ =	sdelay $0x3  }
0x93: {  	_ =	strace s4  }
0x94: {  	s4 =	sld [smem:$0x3FFC];
	_ =	sdelay $0x3  }
0x95: {  	_ =	strace s4  }
0x96: {  	s4 =	sld [smem:$0x3FFD];
	_ =	sdelay $0x3  }
0x97: {  	_ =	strace s4  }
0x98: {  	_ =	strace $0x8FFFFFFF  }
0x99: {  	s19 =	sld [smem:$0x3FDB];
	_ =	sdelay $0x1  }
0x9a: {  	s5 =	simm.s32 $_scs_section_size  }
0x9b: {  	s6 =	simm.s32 $_size__tile_overlayer_lowered;
	s7 =	simm.s32 $_tile_overlayer_lowered  }
0x9c: {  	s22 =	simm.s32 $0x1BFF;
	s21 =	sshll.u32 s7, $0x1;
	s4 =	sadd.s32 s5, s19  }
0x9d: {  	s8 =	simm.s32 $0x0;
	s20 =	sshll.u32 s6, $0x1;
	s6 =	sadd.s32 s21, s4  }
0x9e: {  	[timem:s8], [sflag:s22] =	dma.local [hbm:s6], s20  }
0x9f: {  	_ =	swait.ge [sflag:s22], s20  }
0xa0: {  	s5 =	ssub.s32 $0x0, s20;
	[sflag:s22] =	ssyncset.done $0x0  }
0xa1: {  	[sflag:s22] =	ssyncadd.s32 s5;
	_ =	sdelay $0x1  }
0xa2: {  	s23 =	simm.s32 $0x1B8B  }
0xa3: {  	_ =	swait.ge [sflag:s23], $0x1  }
0xa4: {  	[sflag:s23] =	ssyncset.done $0x0  }
0xa5: {  	s25 =	simm.s32 $0x1B8E;
	s24 =	sld [smem:$0x3FFE];
	[sflag:s23] =	ssyncadd.s32 $0xFFFFFFFF  }
0xa6: {  	s26 =	simm.s32 $execute0_lowered;
	[smem:$0x3FD2] =	sst s25  }
0xa7: {  	s6 =	sshll.u32 s26, $0x1;
	_ =	strace $0x80000046;
	[dreg:$0x1] =	wrdreg $0xFFFFFFFF  }
0xa8: {  	s28 =	simm.s32 $_size_execute0_lowered;
	s4 =	sadd.s32 s4, s6;
	[dreg:$0x0] =	wrdreg $0x0  }
0xa9: {  	s6 =	sshll.u32 s28, $0x1;
	[dreg:$0x2] =	wrdreg s4  }
0xaa: {  	[dreg:$0x3] =	wrdreg s6  }
0xab: {  	[dreg:$0x4] =	wrdreg $0xC0  }
0xac: {  	_ =	task [dreg:s8], $0x5FFFF  }
0xad: {  	[dreg:$0x1] =	wrdreg $0xFFFFFFFF  }
0xae: {  	[dreg:$0x0] =	wrdreg $0x60  }
0xaf: {  	[dreg:$0x2] =	wrdreg s2  }
0xb0: {  	[dreg:$0x3] =	wrdreg s24  }
0xb1: {  	[dreg:$0x4] =	wrdreg s18  }
0xb2: {  	[dreg:$0x5] =	wrdreg $0x9  }
0xb3: {  	_ =	task.clear_ibuf [dreg:s8], $0x6FFFF;
	_ =	strace $0x90000046  }
0xb4: {  	s29 =	simm.s32 $0x9;
	_ =	strace $0x80000048  }
0xb5: {  	_ =	swait.ge [sflag:s29], $0x1  }
0xb6: {  	[sflag:s29] =	ssyncadd.s32 $0xFFFFFFFF  }
0xb7: {  	_ =	strace $0x90000048  }
0xb8: {  	_ =	sfence  }
0xb9: {  	s30 =	sld [smem:$0x0];
	_ =	sdelay $0x2  }
0xba: {  	s31 =	sshll.u32 s1, $0xD;
	s1 =	sshrl.u32 s1, $0x2  }
0xbb: {  	s3 =	sand.u32 $0x4000, s31;
	s1 =	sadd.s32 s1, s30  }
0xbc: {  	s0 =	sor.u32 s3, s0;
	s1 =	sshll.u32 s1, $0x11  }
0xbd: {  	s0 =	sor.u32 s1, s0  }
0xbe: {  	s0 =	sadd.s32 $0x8F2B, s0  }
0xbf: {  	[sflag:s0] =	ssyncadd.remote.s32 $0x1  }
0xc0: {  	_ =	sfence.sel $0xFFFF  }
0xc1: {  	[dreg:$0x0] =	wrdreg $0xFFFFFFFF;
	(pc) =	sbr.abs _section_cstart, $3  }
0xc2: {  	[dreg:$0x1] =	wrdreg $0xFFFFFFFF  }
0xc3: {  	_ =	task.clear_ibuf [dreg:s8], $0x2FFFF;
	_ =	strace $0x9FFFFFFF  }
0xc4: {  	(tm) =	ssettm $0x7FFFFFFF  }
0xc5: {  	_ =	shalt  }
tec
execute0_lowered:
.L_overlay_start_1:
0x0: {  	(tag) =	ssettag $0x1  }
0x1: {  	s1 =	rddreg [dreg:$0x0]  }
0x2: {  	s4 =	rddreg [dreg:$0x1];
	s2 =	srdreg.scid  }
0x3: {  	s0 =	stileid.u32;
	s5 =	rddreg [dreg:$0x2];
	s3 =	simm.s32 $0x0  }
0x4: {  	s6 =	sand.u32 $0x1, s2;
	s7 =	sshll.u32 s0, $0x1;
	s2 =	rddreg [dreg:$0x3]  }
0x5: {  	[smem:$0x7FF] =	sst s3;
	s31 =	sshll.u32 s0, $0x6;
	s7 =	sor.u32 s6, s7  }
0x6: {  	_ =	strace $0x80000047;
	s6 =	ssub.s32 $0x2, s6;
	s8 =	sshll.u32 s7, $0xB  }
0x7: {  	s9 =	sshll.u32 s7, $0xA;
	s10 =	sshrl.u32 s6, $0x1;
	s11 =	smul.u32 $0xC00, s7  }
0x8: {  	s12 =	smul.u32 $0x60, s7;
	s8 =	sadd.s32 s8, s4;
	s9 =	sadd.s32 s9, s4  }
0x9: {  	s10 =	ssub.s32 s6, s10;
	s4 =	sadd.s32 s5, s11;
	s5 =	sor.u32 $0x1C01, s31  }
0xa: {  	s6 =	sadd.s32 $0xC00, s8;
	s7 =	sadd.s32 $0x10C00, s9;
	s8 =	smax.u32 s10, $0x1  }
0xb: {  	v0 =	vmov s12;
	s9 =	simm.s32 $0x1;
	s10 =	simm.s32 $0x4000;
	s11 =	simm.s32 $0x0  }
.LBB2_1:
0xc: {  	[hbm:s4], [sflag:s5] =	dma.local [hbm:s1], $0xC00  }
0xd: {  	_ =	swait.ge [sflag:s9], $0xC00  }
0xe: {  	[sflag:s9] =	ssyncset.done $0x0  }
0xf: {  	[sflag:s9] =	ssyncadd.s32 $0xFFFFF400  }
0x10: {  	[tilespmem:s3], [sflag:$0x1] =	stream.linear.gather [hbm4b:s6+s3], $0x4000, $0x38;
	[tilespmem:$0x6000] =	vst v63  }
0x11: {  	_ =	swait.ge [sflag:s9], $0x4000  }
0x12: {  	[sflag:s9] =	ssyncset.done $0x0  }
0x13: {  	s13 =	simm.s32 $0x0;
	[sflag:s9] =	ssyncadd.s32 $0xFFFFC000  }
0x14: {  	v1 =	vld [tilespmem:s13+$0x0];
	_ =	sdelay $0x4  }
0x15: {  	s12 =	simm.s32 $0x4020;
	v1 =	vadd.s32 v0, v1  }
0x16: {  	[tilespmem:s12+$0xFFFFFFE0] =	vst v1  }
0x17: {  	v1 =	vld [tilespmem:s13+$0x10];
	_ =	sdelay $0x4  }
0x18: {  	v1 =	vadd.s32 v0, v1  }
0x19: {  	[tilespmem:s12+$0xFFFFFFF0] =	vst v1  }
0x1a: {  	v1 =	vld [tilespmem:s13+$0x20];
	_ =	sdelay $0x4  }
0x1b: {  	v1 =	vadd.s32 v0, v1  }
0x1c: {  	[tilespmem:s12+$0x0] =	vst v1  }
0x1d: {  	v1 =	vld [tilespmem:s13+$0x22];
	_ =	sdelay $0x4  }
0x1e: {  	v1 =	vadd.s32 v0, v1  }
0x1f: {  	s14 =	simm.s32 $0x400;
	s13 =	simm.s32 $0x80;
	[tilespmem:s12+$0x2] =	vst v1  }
.LBB2_2:
0x20: {  	p0 =	sne.s32 s14, $0xFE00;
	v1 =	vld [tilespmem:s13+$0x0];
	_ =	sdelay $0x4  }
0x21: {  	s12 =	sadd.s32 $0x40, s12;
	v1 =	vadd.s32 v0, v1  }
0x22: {  	[tilespmem:s12+$0xFFFFFFE0] =	vst v1  }
0x23: {  	v1 =	vld [tilespmem:s13+$0x10];
	_ =	sdelay $0x4  }
0x24: {  	v1 =	vadd.s32 v0, v1  }
0x25: {  	[tilespmem:s12+$0xFFFFFFF0] =	vst v1  }
0x26: {  	v1 =	vld [tilespmem:s13+$0x20];
	_ =	sdelay $0x4  }
0x27: {  	v1 =	vadd.s32 v0, v1  }
0x28: {  	[tilespmem:s12+$0x0] =	vst v1  }
0x29: {  	v1 =	vld [tilespmem:s13+$0x22];
	_ =	sdelay $0x1  }
.Ltmp0:
0x2a: {  	(pc) =	sbr.rel @p0 .LBB2_2-.Ltmp0, $3  }
0x2b: {  	_ =	sdelay $0x1  }
0x2c: {  	v1 =	vadd.s32 v0, v1  }
0x2d: {  	s13 =	sshra.s32 s14, $0x2;
	s14 =	sadd.s32 $0x200, s14;
	[tilespmem:s12+$0x2] =	vst v1  }
0x2e: {  	v1 =	vld [tilespmem:s13+$0x0];
	_ =	sdelay $0x4  }
0x2f: {  	s12 =	sadd.s32 $0x40, s12;
	v1 =	vadd.s32 v0, v1  }
0x30: {  	[tilespmem:s12+$0xFFFFFFE0] =	vst v1  }
0x31: {  	v1 =	vld [tilespmem:s13+$0x10];
	_ =	sdelay $0x4  }
0x32: {  	v1 =	vadd.s32 v0, v1  }
0x33: {  	[tilespmem:s12+$0xFFFFFFF0] =	vst v1  }
0x34: {  	v1 =	vld [tilespmem:s13+$0x20];
	_ =	sdelay $0x4  }
0x35: {  	v1 =	vadd.s32 v0, v1  }
0x36: {  	[tilespmem:s12+$0x0] =	vst v1  }
0x37: {  	v1 =	vld [tilespmem:s13+$0x22];
	_ =	sdelay $0x3  }
0x38: {  	s11 =	sadd.s32 $0x1, s11  }
0x39: {  	p0 =	sne.s32 s11, s8;
	v1 =	vadd.s32 v0, v1  }
.Ltmp1:
0x3a: {  	[tilespmem:s12+$0x2] =	vst v1;
	(pc) =	sbr.rel @p0 .LBB2_1-.Ltmp1, $4  }
0x3b: {  	[hbm4b:s7+s3] =	stream.linear.scatter [tilespmem:s10], [sflag:$0x1], $0x2000, $0x38;
	[tilespmem:$0x6000] =	vst v63  }
0x3c: {  	_ =	swait.ge [sflag:s9], $0x2000  }
0x3d: {  	[sflag:s9] =	ssyncset.done $0x0  }
0x3e: {  	[sflag:s9] =	ssyncadd.s32 $0xFFFFE000  }
0x3f: {  	_ =	sfence.sel $0x180000  }
0x40: {  	[bflag:$0x0] =	sbarrier.arrive $0xFFFF  }
0x41: {  	p0 =	sne.s32 s0, $0x0;
	_ =	strace $0x90000047  }
0x42: {  	s0 =	sadd.s32 @!p0 $0x100000, s2;
	[bflag:$0x2] =	sbarrier.arrive $0xFFFF  }
0x43: {  	[sflag:s0] =	ssyncadd.tile.s32 @!p0 $0x1;
	_ =	shalt  }
.Lfunc_end2:
_tile_overlayer_lowered:
.L_overlay_start_2:
0x44: {  	(tag) =	ssettag $0x2  }
0x45: {  	s0 =	rddreg [dreg:$0x0];
	s2 =	stileid.u32  }
0x46: {  	s1 =	rddreg [dreg:$0x1];
	p0 =	sne.s32 s2, $0x0  }
0x47: {  	s3 =	rddreg [dreg:$0x2];
	[bflag:$0x3] =	sbarrier.arrive $0xFFFF;
	s2 =	simm.s32 @!p0 $0x1C01  }
0x48: {  	[timem:s3], [sflag:s2] =	dma.local @!p0 [hbm:s0], s1  }
0x49: {  	s0 =	simm.s32 @!p0 $0x1  }
0x4a: {  	_ =	swait.ge @!p0 [sflag:s0], s1  }
0x4b: {  	s1 =	ssub.s32 @!p0 $0x0, s1;
	[sflag:s0] =	ssyncset.done @!p0 $0x0  }
0x4c: {  	[sflag:s0] =	ssyncadd.s32 @!p0 s1  }
0x4d: {  	[bflag:$0x3] =	sbarrier.arrive $0xFFFF  }
0x4e: {  	_ =	shalt  }

// kernel: kernel.7.cloned.1.call-start
scs
__scs_entry_jumppad:
0x0: {  	(pc) =	sbr.rel $0x88, $3  }
0x1: {  	(tag) =	ssettag $0x0;
	lr =	simm.s32 $0x1  }
0x2: {  	[smem:$0x3F9F] =	sst lr;
	_ =	strace $0xD0000000  }
0x3: {  	_ = 	snop  }
0x4: {  	_ = 	snop  }
0x5: {  	_ = 	snop  }
0x6: {  	_ = 	snop  }
0x7: {  	_ = 	snop  }
__scs_overlays_trampoline_lowered:
0x8: {  	[smem:$0x3FAE] =	sst s0  }
0x9: {  	[smem:$0x3FAF] =	sst s1  }
0xa: {  	[smem:$0x3FB0] =	sst s2  }
0xb: {  	[smem:$0x3FB1] =	sst s3  }
0xc: {  	[smem:$0x3FB2] =	sst s4  }
0xd: {  	[smem:$0x3FB3] =	sst s5  }
0xe: {  	[smem:$0x3FB4] =	sst s6  }
0xf: {  	[smem:$0x3FB5] =	sst s7  }
0x10: {  	[smem:$0x3FB6] =	sst s8  }
0x11: {  	[smem:$0x3FB7] =	sst s9;
	s0 =	simm.s32 @!p0 $0x0  }
0x12: {  	s1 =	sld [smem:$0x3F9D];
	s0 =	simm.s32 @p0 $0x1  }
0x13: {  	[smem:$0x3FB8] =	sst s0;
	s0 =	simm.s32 @!p1 $0x0  }
0x14: {  	s2 =	sld [smem:$0x3F9C];
	s0 =	simm.s32 @p1 $0x1  }
0x15: {  	[smem:$0x3FB9] =	sst s0;
	s0 =	simm.s32 @!p2 $0x0  }
0x16: {  	s3 =	sld [smem:$0x3FDB];
	s0 =	simm.s32 @p2 $0x1  }
0x17: {  	s4 =	simm.s32 $0x1BF5;
	[smem:$0x3FBB] =	sst s0  }
0x18: {  	s0 =	sld [smem:$0x3F9E];
	_ =	swait.ge [sflag:s4], $0x0  }
0x19: {  	s7 =	sld [smem:$0x3F9F]  }
0x1a: {  	s8 =	sadd.s32 $0xFFFFE003, lr  }
0x1b: {  	s9 =	sadd.s32 $0xFFFFFEF7, lr;
	s5 =	simm.s32 $0xFFFFFFFF;
	p2 =	slt.u32 s8, $0xFFFFF086  }
0x1c: {  	p1 =	slt.u32 s9, $0xF7A;
	s5 =	simm.s32 @!p2 $0x0  }
0x1d: {  	s5 =	simm.s32 @p1 $0x1;
	p0 =	seq.s32 s7, s2  }
0x1e: {  	s7 =	smul.u32 @!p0 $0xF7A, s2;
	p2 =	seq.s32 @!p0 s5, $0x0  }
0x1f: {  	s9 =	smul.u32 $0xF7A, s1;
	s8 =	simm.s32 @!p0 $0x1BF5;
	p2 =	por !p2, p0  }
0x20: {  	[sflag:s8] =	ssyncset.s32 @!p0 $0xFFFFF086;
	s6 =	sadd.s32 @!p0 s3, s7;
	s7 =	simm.s32 @!p0 $0x108  }
0x21: {  	s3 =	sadd.s32 s3, s9;
	s6 =	sadd.s32 @!p0 $0x88, s6;
	s7 =	simm.s32 @p2 $0x1082  }
0x22: {  	[simem:s7], [sflag:s8] =	dma.local @!p0 [hbm:s6], $0xF7A  }
0x23: {  	s9 =	sor.u32 $0xD0000000, s2;
	s6 =	simm.s32 $0x108;
	_ =	swait.ge @!p0 [sflag:s8], $0x0  }
0x24: {  	s3 =	sadd.s32 $0x88, s3;
	s6 =	simm.s32 @!p1 $0x1082;
	[sflag:s4] =	ssyncset.s32 $0xFFFFF086  }
0x25: {  	[simem:s6], [sflag:s4] =	dma.local [hbm:s3], $0xF7A  }
0x26: {  	[smem:$0x3F9F] =	sst s1;
	(tag) =	ssettag s2;
	_ =	strace s9  }
0x27: {  	s1 =	sld [smem:$0x3FAF]  }
0x28: {  	s2 =	sld [smem:$0x3FB0]  }
0x29: {  	s4 =	sld [smem:$0x3FB2]  }
0x2a: {  	p0 =	seq.s32 s5, $0x0;
	s5 =	sld [smem:$0x3FB3]  }
0x2b: {  	s6 =	sld [smem:$0x3FB4]  }
0x2c: {  	s7 =	sld [smem:$0x3FB5]  }
0x2d: {  	s3 =	simm.s32 $0x108;
	s8 =	sld [smem:$0x3FB6]  }
0x2e: {  	s3 =	simm.s32 @!p0 $0x1082;
	s9 =	sld [smem:$0x3FB7]  }
0x2f: {  	lr =	sadd.s32 s0, s3;
	s0 =	sld [smem:$0x3FAE]  }
0x30: {  	s3 =	sld [smem:$0x3FB1]  }
0x31: {  	[smem:$0x3FBA] =	sst s10  }
0x32: {  	s10 =	sld [smem:$0x3FB8];
	_ =	sdelay $0x3  }
0x33: {  	p0 =	seq.s32 s10, $0x1;
	s10 =	sld [smem:$0x3FBA];
	_ =	sdelay $0x3  }
0x34: {  	[smem:$0x3FBA] =	sst s10  }
0x35: {  	s10 =	sld [smem:$0x3FB9];
	_ =	sdelay $0x3  }
0x36: {  	p1 =	seq.s32 s10, $0x1;
	s10 =	sld [smem:$0x3FBA];
	_ =	sdelay $0x3  }
0x37: {  	[smem:$0x3FBA] =	sst s10  }
0x38: {  	s10 =	sld [smem:$0x3FBB]  }
0x39: {  	_ = 	snop;
	(pc) =	sbr.ind lr, $3  }
0x3a: {  	_ = 	snop  }
0x3b: {  	_ = 	snop  }
0x3c: {  	p2 =	seq.s32 s10, $0x1;
	s10 =	sld [smem:$0x3FBA]  }
0x3d: {  	_ =	shalt  }
0x3e: {  	_ =	shalt  }
0x3f: {  	_ =	shalt  }
0x40: {  	_ =	shalt  }
0x41: {  	_ =	shalt  }
0x42: {  	_ =	shalt  }
0x43: {  	_ =	shalt  }
0x44: {  	_ =	shalt  }
0x45: {  	_ =	shalt  }
0x46: {  	_ =	shalt  }
0x47: {  	_ =	shalt  }
0x48: {  	_ =	shalt  }
0x49: {  	_ =	shalt  }
0x4a: {  	_ =	shalt  }
0x4b: {  	_ =	shalt  }
0x4c: {  	_ =	shalt  }
0x4d: {  	_ =	shalt  }
0x4e: {  	_ =	shalt  }
0x4f: {  	_ =	shalt  }
0x50: {  	_ =	shalt  }
0x51: {  	_ =	shalt  }
0x52: {  	_ =	shalt  }
0x53: {  	_ =	shalt  }
0x54: {  	_ =	shalt  }
0x55: {  	_ =	shalt  }
0x56: {  	_ =	shalt  }
0x57: {  	_ =	shalt  }
0x58: {  	_ =	shalt  }
0x59: {  	_ =	shalt  }
0x5a: {  	_ =	shalt  }
0x5b: {  	_ =	shalt  }
0x5c: {  	_ =	shalt  }
0x5d: {  	_ =	shalt  }
0x5e: {  	_ =	shalt  }
0x5f: {  	_ =	shalt  }
0x60: {  	_ =	shalt  }
0x61: {  	_ =	shalt  }
0x62: {  	_ =	shalt  }
0x63: {  	_ =	shalt  }
0x64: {  	_ =	shalt  }
0x65: {  	_ =	shalt  }
0x66: {  	_ =	shalt  }
0x67: {  	_ =	shalt  }
0x68: {  	_ =	shalt  }
0x69: {  	_ =	shalt  }
0x6a: {  	_ =	shalt  }
0x6b: {  	_ =	shalt  }
0x6c: {  	_ =	shalt  }
0x6d: {  	_ =	shalt  }
0x6e: {  	_ =	shalt  }
0x6f: {  	_ =	shalt  }
0x70: {  	_ =	shalt  }
0x71: {  	_ =	shalt  }
0x72: {  	_ =	shalt  }
0x73: {  	_ =	shalt  }
0x74: {  	_ =	shalt  }
0x75: {  	_ =	shalt  }
0x76: {  	_ =	shalt  }
0x77: {  	_ =	shalt  }
0x78: {  	_ =	shalt  }
0x79: {  	_ =	shalt  }
0x7a: {  	_ =	shalt  }
0x7b: {  	_ =	shalt  }
0x7c: {  	_ =	shalt  }
0x7d: {  	_ =	shalt  }
0x7e: {  	_ =	shalt  }
0x7f: {  	_ =	shalt  }
0x80: {  	_ =	shalt  }
0x81: {  	_ =	shalt  }
0x82: {  	_ =	shalt  }
0x83: {  	_ =	shalt  }
0x84: {  	_ =	shalt  }
0x85: {  	_ =	shalt  }
0x86: {  	_ =	shalt  }
0x87: {  	_ =	shalt  }
.Lfunc_end0:
.L_simem_size_0:
called_computation.1_lowered:
.L_overlay_start_0:
0x88: {  	s2 =	sld [smem:$0x3FD9]  }
0x89: {  	s3 =	sld [smem:$0x3FFE];
	_ =	sdelay $0x1  }
0x8a: {  	s1 =	srdreg.scid  }
0x8b: {  	s0 =	sand.u32 $0x1, s1  }
0x8c: {  	s17 =	sshll.u32 s0, $0xA;
	s2 =	sadd.s32 s3, s2  }
0x8d: {  	s2 =	sadd.s32 s2, s17  }
0x8e: {  	[smem:$0x3FC6] =	sst s2  }
0x8f: {  	_ = 	snop  }
0x90: {  	s2 =	sld [smem:$0x3FD0];
	(tm) =	ssettm $0x1  }
0x91: {  	s18 =	sld [smem:$0x3FFB];
	_ =	sdelay $0x3  }
0x92: {  	_ =	strace s18  }
0x93: {  	s3 =	sld [smem:$0x3FFC];
	_ =	sdelay $0x3  }
0x94: {  	_ =	strace s3  }
0x95: {  	s3 =	sld [smem:$0x3FFD];
	_ =	sdelay $0x3  }
0x96: {  	_ =	strace s3  }
0x97: {  	_ =	strace $0x8FFFFFFF  }
0x98: {  	s19 =	sld [smem:$0x3FDB];
	_ =	sdelay $0x1  }
0x99: {  	s4 =	simm.s32 $_scs_section_size  }
0x9a: {  	s5 =	simm.s32 $_size__tile_overlayer_lowered;
	s6 =	simm.s32 $_tile_overlayer_lowered  }
0x9b: {  	s22 =	simm.s32 $0x1BFF;
	s21 =	sshll.u32 s6, $0x1;
	s3 =	sadd.s32 s4, s19  }
0x9c: {  	s7 =	simm.s32 $0x0;
	s20 =	sshll.u32 s5, $0x1;
	s5 =	sadd.s32 s21, s3  }
0x9d: {  	[timem:s7], [sflag:s22] =	dma.local [hbm:s5], s20  }
0x9e: {  	_ =	swait.ge [sflag:s22], s20  }
0x9f: {  	s4 =	ssub.s32 $0x0, s20;
	[sflag:s22] =	ssyncset.done $0x0  }
0xa0: {  	[sflag:s22] =	ssyncadd.s32 s4;
	_ =	sdelay $0x1  }
0xa1: {  	s23 =	simm.s32 $0x1B8B  }
0xa2: {  	_ =	swait.ge [sflag:s23], $0x1  }
0xa3: {  	[sflag:s23] =	ssyncset.done $0x0  }
0xa4: {  	s25 =	simm.s32 $0x1B8E;
	s24 =	sld [smem:$0x3FFE];
	[sflag:s23] =	ssyncadd.s32 $0xFFFFFFFF  }
0xa5: {  	s26 =	simm.s32 $execute0_lowered;
	[smem:$0x3FD2] =	sst s25  }
0xa6: {  	s5 =	sshll.u32 s26, $0x1;
	_ =	strace $0x80000049;
	[dreg:$0x1] =	wrdreg $0xFFFFFFFF  }
0xa7: {  	s28 =	simm.s32 $_size_execute0_lowered;
	s3 =	sadd.s32 s3, s5;
	[dreg:$0x0] =	wrdreg $0x0  }
0xa8: {  	s5 =	sshll.u32 s28, $0x1;
	[dreg:$0x2] =	wrdreg s3  }
0xa9: {  	[dreg:$0x3] =	wrdreg s5  }
0xaa: {  	[dreg:$0x4] =	wrdreg $0xC0  }
0xab: {  	_ =	task [dreg:s7], $0x5FFFF  }
0xac: {  	[dreg:$0x1] =	wrdreg $0xFFFFFFFF  }
0xad: {  	[dreg:$0x0] =	wrdreg $0x60  }
0xae: {  	[dreg:$0x2] =	wrdreg s2  }
0xaf: {  	[dreg:$0x3] =	wrdreg s24  }
0xb0: {  	[dreg:$0x4] =	wrdreg $0x9  }
0xb1: {  	_ =	task.clear_ibuf [dreg:s7], $0x5FFFF;
	_ =	strace $0x90000049  }
0xb2: {  	s29 =	simm.s32 $0x9;
	_ =	strace $0x8000004B  }
0xb3: {  	_ =	swait.ge [sflag:s29], $0x1  }
0xb4: {  	[sflag:s29] =	ssyncadd.s32 $0xFFFFFFFF  }
0xb5: {  	_ =	strace $0x9000004B  }
0xb6: {  	_ =	sfence  }
0xb7: {  	s30 =	sld [smem:$0x0];
	_ =	sdelay $0x2  }
0xb8: {  	s31 =	sshll.u32 s1, $0xD;
	s1 =	sshrl.u32 s1, $0x2  }
0xb9: {  	s3 =	sand.u32 $0x4000, s31;
	s1 =	sadd.s32 s1, s30  }
0xba: {  	s0 =	sor.u32 s3, s0;
	s1 =	sshll.u32 s1, $0x11  }
0xbb: {  	s0 =	sor.u32 s1, s0  }
0xbc: {  	s0 =	sadd.s32 $0x8F2B, s0  }
0xbd: {  	[sflag:s0] =	ssyncadd.remote.s32 $0x1  }
0xbe: {  	_ =	sfence.sel $0xFFFF  }
0xbf: {  	[dreg:$0x0] =	wrdreg $0xFFFFFFFF;
	(pc) =	sbr.abs _section_cstart, $3  }
0xc0: {  	[dreg:$0x1] =	wrdreg $0xFFFFFFFF  }
0xc1: {  	_ =	task.clear_ibuf [dreg:s7], $0x2FFFF;
	_ =	strace $0x9FFFFFFF  }
0xc2: {  	(tm) =	ssettm $0x7FFFFFFF  }
0xc3: {  	_ =	shalt  }
tec
execute0_lowered:
.L_overlay_start_1:
0x0: {  	(tag) =	ssettag $0x1  }
0x1: {  	s2 =	rddreg [dreg:$0x0]  }
0x2: {  	s0 =	rddreg [dreg:$0x1];
	s1 =	srdreg.scid  }
0x3: {  	s8 =	stileid.u32;
	s3 =	simm.s32 $0x0;
	s9 =	simm.s32 $0x2000  }
0x4: {  	s16 =	simm.s32 $0x5800;
	s23 =	simm.s32 $0x9000;
	s24 =	simm.s32 $0x9800  }
0x5: {  	s28 =	simm.s32 $0xB000;
	s29 =	simm.s32 $0xB800;
	s30 =	simm.s32 $0xC000  }
0x6: {  	s31 =	simm.s32 $0x1;
	s10 =	simm.s32 $0xF000;
	s11 =	simm.s32 $0xF800  }
0x7: {  	s12 =	simm.s32 $0x2;
	s13 =	simm.s32 $0x3;
	s14 =	simm.s32 $0x4  }
0x8: {  	s15 =	simm.s32 $0x5;
	s17 =	simm.s32 $0x6;
	s20 =	simm.s32 $0x0  }
0x9: {  	s1 =	sand.u32 $0x1, s1;
	s4 =	sshll.u32 s8, $0x1;
	[smem:$0x7FF] =	sst s3  }
0xa: {  	s25 =	smul.u32 $0x70000, s8;
	s8 =	simm.s32 $0xE800;
	s4 =	sor.u32 s1, s4  }
0xb: {  	_ =	strace $0x8000004A;
	s6 =	ssub.s32 $0x2, s1;
	s1 =	smul.u32 $0x38000, s1  }
0xc: {  	s5 =	sshll.u32 s4, $0xA;
	s7 =	sshrl.u32 s6, $0x1;
	s4 =	smul.u32 $0x38000, s4  }
0xd: {  	s5 =	sadd.s32 s5, s0;
	s0 =	sadd.s32 $0x18C00, s0;
	s6 =	ssub.s32 s6, s7  }
.Ltmp0:
0xe: {  	s5 =	sadd.s32 $0x10C00, s5;
	s4 =	sadd.s32 s0, s4;
	(pc) =	sbr.rel .LBB2_1-.Ltmp0, $4  }
0xf: {  	s26 =	smax.u32 s6, $0x1;
	s0 =	sadd.s32 s25, s0;
	[dreg:$0x3] =	wrdreg s5  }
0x10: {  	v2 =	vlaneseq.u32;
	vm1 =	vcmask $0x2720;
	vm2 =	vcmask $0x700;
	s25 =	simm.s32 $0xA000;
	[dreg:$0x4] =	wrdreg s26;
	s6 =	sadd.s32 $0x37200, s4  }
0x11: {  	vm0 =	vmmov $0xffff;
	v0 =	vand.u32 $0x7, v2;
	v1 =	vshrl.u32 v2, $0x3;
	s7 =	sadd.s32 s1, s0;
	s26 =	simm.s32 $0xA800;
	s0 =	simm.s32 $0xC800  }
0x12: {  	v2 =	vor.u32 $0x8, v2;
	vm1 =	vmor vm2, vm1;
	v1 =	vmul.u32 $0x8, v1;
	s1 =	simm.s32 $0xD000;
	s4 =	simm.s32 $0xD800;
	s5 =	simm.s32 $0xE000  }
.LBB2_6:
0x13: {  	_ =	swait.ge [sflag:s15], $0x3800  }
0x14: {  	[sflag:s15] =	ssyncset.done $0x0  }
0x15: {  	[sflag:s15] =	ssyncadd.s32 $0xFFFFC800  }
0x16: {  	_ =	swait.ge [sflag:s17], $0x3800  }
0x17: {  	[sflag:s17] =	ssyncset.done $0x0  }
0x18: {  	s18 =	simm.s32 $0x7;
	[sflag:s17] =	ssyncadd.s32 $0xFFFFC800  }
0x19: {  	_ =	swait.ge [sflag:s18], $0x3800  }
0x1a: {  	[sflag:s18] =	ssyncset.done $0x0  }
0x1b: {  	s19 =	simm.s32 $0x8;
	[sflag:s18] =	ssyncadd.s32 $0xFFFFC800  }
0x1c: {  	_ =	swait.ge [sflag:s19], $0x3800  }
0x1d: {  	s20 =	rddreg [dreg:$0x5]  }
0x1e: {  	s22 =	rddreg [dreg:$0x4];
	s20 =	sadd.s32 $0x1, s20  }
0x1f: {  	p0 =	sne.s32 s20, s22  }
.Ltmp1:
0x20: {  	_ = 	snop;
	(pc) =	sbr.rel @!p0 .LBB2_7-.Ltmp1, $3  }
0x21: {  	_ =	sdelay $0x1  }
0x22: {  	[sflag:s19] =	ssyncset.done $0x0  }
0x23: {  	[sflag:s19] =	ssyncadd.s32 $0xFFFFC800  }
.LBB2_1:
0x24: {  	[dreg:$0x5] =	wrdreg s20  }
0x25: {  	s18 =	rddreg [dreg:$0x3];
	s22 =	simm.s32 $0x9  }
0x26: {  	[tilespmem:s3], [sflag:$0x9] =	stream.linear.gather [hbm4b:s18+s3], $0x2000, $0x38;
	[tilespmem:$0x10000] =	vst v63  }
0x27: {  	_ =	swait.ge [sflag:s22], $0x2000  }
0x28: {  	[sflag:s22] =	ssyncset.done $0x0  }
0x29: {  	[sflag:s22] =	ssyncadd.s32 $0xFFFFE000  }
0x2a: {  	v3 =	vld [tilespmem:$0x0];
	_ =	sdelay $0x4  }
0x2b: {  	v4 =	vshll.u32 v3, $0x1  }
0x2c: {  	v3 =	vand.u32 $0x7, v3;
	v4 =	vand.u32 $0xFFFFFFF0, v4  }
0x2d: {  	v3 =	vor.u32 v3, v4  }
0x2e: {  	v4 =	vperm.xlane v3, v0;
	_ =	sdelay $0x1  }
0x2f: {  	v3 =	vperm.xlane v3, v2;
	v4 =	vadd.s32 v1, v4;
	_ =	sdelay $0x1  }
0x30: {  	v3 =	vadd.s32 v1, v3;
	_ =	sdelay $0x2  }
0x31: {  	[tilespmem:s9], [sflag:$0x1] =	stream.indirect_vreg.gather [hbm4b:s2+s3], $0x80, v4, vm0, $0xb8;
	[tilespmem:$0x10000] =	vst v63  }
0x32: {  	s19 =	simm.s32 $0x2800  }
0x33: {  	[tilespmem:s19], [sflag:$0x1] =	stream.indirect_vreg.gather [hbm4b:s2+s3], $0x80, v3, vm0, $0xb8;
	[tilespmem:$0x10000] =	vst v63  }
0x34: {  	v3 =	vld [tilespmem:$0x10];
	_ =	sdelay $0x4  }
0x35: {  	v57 =	vshll.u32 v3, $0x1  }
0x36: {  	v3 =	vand.u32 $0x7, v3;
	v4 =	vand.u32 $0xFFFFFFF0, v57  }
0x37: {  	v3 =	vor.u32 v3, v4  }
0x38: {  	v4 =	vperm.xlane v3, v0;
	_ =	sdelay $0x1  }
0x39: {  	v3 =	vperm.xlane v3, v2;
	v4 =	vadd.s32 v1, v4;
	_ =	sdelay $0x1  }
0x3a: {  	v3 =	vadd.s32 v1, v3;
	_ =	sdelay $0x1  }
0x3b: {  	s20 =	simm.s32 $0x3000  }
0x3c: {  	[tilespmem:s20], [sflag:$0x1] =	stream.indirect_vreg.gather [hbm4b:s2+s3], $0x80, v4, vm0, $0xb8;
	[tilespmem:$0x10000] =	vst v63  }
0x3d: {  	s21 =	simm.s32 $0x3800  }
0x3e: {  	[tilespmem:s21], [sflag:$0x1] =	stream.indirect_vreg.gather [hbm4b:s2+s3], $0x80, v3, vm0, $0xb8;
	[tilespmem:$0x10000] =	vst v63  }
0x3f: {  	v3 =	vld [tilespmem:$0x20];
	_ =	sdelay $0x4  }
0x40: {  	v58 =	vshll.u32 v3, $0x1  }
0x41: {  	v3 =	vand.u32 $0x7, v3;
	v4 =	vand.u32 $0xFFFFFFF0, v58  }
0x42: {  	v3 =	vor.u32 v3, v4  }
0x43: {  	v4 =	vperm.xlane v3, v0;
	_ =	sdelay $0x1  }
0x44: {  	v3 =	vperm.xlane v3, v2;
	v4 =	vadd.s32 v1, v4;
	_ =	sdelay $0x1  }
0x45: {  	v3 =	vadd.s32 v1, v3;
	_ =	sdelay $0x1  }
0x46: {  	s22 =	simm.s32 $0x4000  }
0x47: {  	[tilespmem:s22], [sflag:$0x1] =	stream.indirect_vreg.gather [hbm4b:s2+s3], $0x80, v4, vm0, $0xb8;
	[tilespmem:$0x10000] =	vst v63  }
0x48: {  	s19 =	simm.s32 $0x4800  }
0x49: {  	[tilespmem:s19], [sflag:$0x1] =	stream.indirect_vreg.gather [hbm4b:s2+s3], $0x80, v3, vm0, $0xb8;
	[tilespmem:$0x10000] =	vst v63  }
0x4a: {  	v3 =	vld.msk [tilespmem:$0x30], $0x3;
	_ =	sdelay $0x4  }
0x4b: {  	v59 =	vshll.u32 v3, $0x1  }
0x4c: {  	v3 =	vand.u32 $0x7, v3;
	v4 =	vand.u32 $0xFFFFFFF0, v59  }
0x4d: {  	v3 =	vor.u32 v3, v4  }
0x4e: {  	v3 =	vperm.xlane v3, v0;
	_ =	sdelay $0x1  }
0x4f: {  	v3 =	vadd.s32 v1, v3;
	_ =	sdelay $0x3  }
0x50: {  	s20 =	simm.s32 $0x5000  }
0x51: {  	[tilespmem:s20], [sflag:$0x1] =	stream.indirect_vreg.gather [hbm4b:s2+s3], $0x80, v3, vm1, $0xb8;
	[tilespmem:$0x10000] =	vst v63  }
0x52: {  	v3 =	vld [tilespmem:$0x40];
	_ =	sdelay $0x4  }
0x53: {  	v60 =	vshll.u32 v3, $0x1  }
0x54: {  	v3 =	vand.u32 $0x7, v3;
	v4 =	vand.u32 $0xFFFFFFF0, v60  }
0x55: {  	v3 =	vor.u32 v3, v4  }
0x56: {  	v4 =	vperm.xlane v3, v0;
	_ =	sdelay $0x1  }
0x57: {  	v3 =	vperm.xlane v3, v2;
	v4 =	vadd.s32 v1, v4;
	_ =	sdelay $0x1  }
0x58: {  	v3 =	vadd.s32 v1, v3;
	_ =	sdelay $0x2  }
0x59: {  	[tilespmem:s16], [sflag:$0x2] =	stream.indirect_vreg.gather [hbm4b:s2+s3], $0x80, v4, vm0, $0xb8;
	[tilespmem:$0x10000] =	vst v63  }
0x5a: {  	s21 =	simm.s32 $0x6000  }
0x5b: {  	[tilespmem:s21], [sflag:$0x2] =	stream.indirect_vreg.gather [hbm4b:s2+s3], $0x80, v3, vm0, $0xb8;
	[tilespmem:$0x10000] =	vst v63  }
0x5c: {  	v3 =	vld [tilespmem:$0x50];
	_ =	sdelay $0x4  }
0x5d: {  	v61 =	vshll.u32 v3, $0x1  }
0x5e: {  	v3 =	vand.u32 $0x7, v3;
	v4 =	vand.u32 $0xFFFFFFF0, v61  }
0x5f: {  	v3 =	vor.u32 v3, v4  }
0x60: {  	v4 =	vperm.xlane v3, v0;
	_ =	sdelay $0x1  }
0x61: {  	v3 =	vperm.xlane v3, v2;
	v4 =	vadd.s32 v1, v4;
	_ =	sdelay $0x1  }
0x62: {  	v3 =	vadd.s32 v1, v3;
	_ =	sdelay $0x1  }
0x63: {  	s22 =	simm.s32 $0x6800  }
0x64: {  	[tilespmem:s22], [sflag:$0x2] =	stream.indirect_vreg.gather [hbm4b:s2+s3], $0x80, v4, vm0, $0xb8;
	[tilespmem:$0x10000] =	vst v63  }
0x65: {  	s19 =	simm.s32 $0x7000  }
0x66: {  	[tilespmem:s19], [sflag:$0x2] =	stream.indirect_vreg.gather [hbm4b:s2+s3], $0x80, v3, vm0, $0xb8;
	[tilespmem:$0x10000] =	vst v63  }
0x67: {  	v3 =	vld [tilespmem:$0x60];
	_ =	sdelay $0x4  }
0x68: {  	v62 =	vshll.u32 v3, $0x1  }
0x69: {  	v3 =	vand.u32 $0x7, v3;
	v4 =	vand.u32 $0xFFFFFFF0, v62  }
0x6a: {  	v3 =	vor.u32 v3, v4  }
0x6b: {  	v4 =	vperm.xlane v3, v0;
	_ =	sdelay $0x1  }
0x6c: {  	v3 =	vperm.xlane v3, v2;
	v4 =	vadd.s32 v1, v4;
	_ =	sdelay $0x1  }
0x6d: {  	v3 =	vadd.s32 v1, v3;
	_ =	sdelay $0x1  }
0x6e: {  	s20 =	simm.s32 $0x7800  }
0x6f: {  	[tilespmem:s20], [sflag:$0x2] =	stream.indirect_vreg.gather [hbm4b:s2+s3], $0x80, v4, vm0, $0xb8;
	[tilespmem:$0x10000] =	vst v63  }
0x70: {  	s21 =	simm.s32 $0x8000  }
0x71: {  	[tilespmem:s21], [sflag:$0x2] =	stream.indirect_vreg.gather [hbm4b:s2+s3], $0x80, v3, vm0, $0xb8;
	[tilespmem:$0x10000] =	vst v63  }
0x72: {  	v3 =	vld.msk [tilespmem:$0x70], $0x3;
	_ =	sdelay $0x4  }
0x73: {  	v63 =	vshll.u32 v3, $0x1  }
0x74: {  	v3 =	vand.u32 $0x7, v3;
	v4 =	vand.u32 $0xFFFFFFF0, v63  }
0x75: {  	v3 =	vor.u32 v3, v4  }
0x76: {  	v3 =	vperm.xlane v3, v0;
	_ =	sdelay $0x1  }
0x77: {  	v3 =	vadd.s32 v1, v3  }
.Ltmp2:
0x78: {  	_ = 	snop;
	(pc) =	sbr.rel .LBB2_2-.Ltmp2, $4  }
0x79: {  	_ = 	snop  }
0x7a: {  	s18 =	simm.s32 $0xFFFFFFFC  }
0x7b: {  	s22 =	simm.s32 $0x8800;
	s19 =	simm.s32 $0xC0;
	s20 =	simm.s32 $0x0  }
0x7c: {  	[tilespmem:s22], [sflag:$0x2] =	stream.indirect_vreg.gather [hbm4b:s2+s3], $0x80, v3, vm1, $0xb8;
	[tilespmem:$0x10000] =	vst v63  }
.LBB2_4:
0x7d: {  	_ =	swait.ge [sflag:s13], $0x3200  }
0x7e: {  	[sflag:s13] =	ssyncset.done $0x0  }
0x7f: {  	[sflag:s13] =	ssyncadd.s32 $0xFFFFCE00  }
0x80: {  	[hbm4b:s6+s3] =	stream.linear.scatter [tilespmem:s23], [sflag:$0x7], $0x3800, $0x38;
	[tilespmem:$0x10000] =	vst v63  }
.LBB2_5:
0x81: {  	s20 =	sadd.s32 $0x1C00, s20  }
0x82: {  	p0 =	sne.s32 s20, $0x38000  }
.Ltmp3:
0x83: {  	_ = 	snop;
	(pc) =	sbr.rel @!p0 .LBB2_6-.Ltmp3, $4  }
0x84: {  	_ =	swait.ge [sflag:s14], $0x3200  }
0x85: {  	s21 =	sadd.s32 $0x1500, s21;
	[sflag:s14] =	ssyncset.done $0x0  }
0x86: {  	s18 =	sadd.s32 $0x4, s18;
	s19 =	sadd.s32 $0x100, s19;
	[sflag:s14] =	ssyncadd.s32 $0xFFFFCE00  }
0x87: {  	[hbm4b:s21+s3] =	stream.linear.scatter [tilespmem:s0], [sflag:$0x8], $0x3800, $0x38;
	[tilespmem:$0x10000] =	vst v63  }
.LBB2_2:
0x88: {  	p0 =	sgt.u32 s18, $0x7B  }
0x89: {  	s21 =	simm.s32 @!p0 $0x7  }
0x8a: {  	_ =	swait.ge @!p0 [sflag:s21], $0x3800  }
0x8b: {  	[sflag:s21] =	ssyncset.done @!p0 $0x0  }
0x8c: {  	[sflag:s21] =	ssyncadd.s32 @!p0 $0xFFFFC800  }
0x8d: {  	v3 =	vld [tilespmem:s19+$0xFFFFFFC0];
	_ =	sdelay $0x4  }
0x8e: {  	v4 =	vshll.u32 v3, $0x1  }
0x8f: {  	v3 =	vand.u32 $0x7, v3;
	v4 =	vand.u32 $0xFFFFFFF0, v4  }
0x90: {  	v3 =	vor.u32 v3, v4  }
0x91: {  	v4 =	vperm.xlane v3, v0;
	_ =	sdelay $0x1  }
0x92: {  	v3 =	vperm.xlane v3, v2;
	v4 =	vadd.s32 v1, v4;
	_ =	sdelay $0x1  }
0x93: {  	v3 =	vadd.s32 v1, v3;
	_ =	sdelay $0x2  }
0x94: {  	[tilespmem:s23], [sflag:$0x3] =	stream.indirect_vreg.gather [hbm4b:s2+s3], $0x80, v4, vm0, $0xb8;
	[tilespmem:$0x10000] =	vst v63  }
0x95: {  	_ = 	snop  }
0x96: {  	[tilespmem:s24], [sflag:$0x3] =	stream.indirect_vreg.gather [hbm4b:s2+s3], $0x80, v3, vm0, $0xb8;
	[tilespmem:$0x10000] =	vst v63  }
0x97: {  	v3 =	vld [tilespmem:s19+$0xFFFFFFD0];
	_ =	sdelay $0x4  }
0x98: {  	v57 =	vshll.u32 v3, $0x1  }
0x99: {  	v3 =	vand.u32 $0x7, v3;
	v4 =	vand.u32 $0xFFFFFFF0, v57  }
0x9a: {  	v3 =	vor.u32 v3, v4  }
0x9b: {  	v4 =	vperm.xlane v3, v0;
	_ =	sdelay $0x1  }
0x9c: {  	v3 =	vperm.xlane v3, v2;
	v4 =	vadd.s32 v1, v4;
	_ =	sdelay $0x1  }
0x9d: {  	v3 =	vadd.s32 v1, v3;
	_ =	sdelay $0x2  }
0x9e: {  	[tilespmem:s25], [sflag:$0x3] =	stream.indirect_vreg.gather [hbm4b:s2+s3], $0x80, v4, vm0, $0xb8;
	[tilespmem:$0x10000] =	vst v63  }
0x9f: {  	_ = 	snop  }
0xa0: {  	[tilespmem:s26], [sflag:$0x3] =	stream.indirect_vreg.gather [hbm4b:s2+s3], $0x80, v3, vm0, $0xb8;
	[tilespmem:$0x10000] =	vst v63  }
0xa1: {  	v3 =	vld [tilespmem:s19+$0xFFFFFFE0];
	_ =	sdelay $0x4  }
0xa2: {  	v58 =	vshll.u32 v3, $0x1  }
0xa3: {  	v3 =	vand.u32 $0x7, v3;
	v4 =	vand.u32 $0xFFFFFFF0, v58  }
0xa4: {  	v3 =	vor.u32 v3, v4  }
0xa5: {  	v4 =	vperm.xlane v3, v0;
	_ =	sdelay $0x1  }
0xa6: {  	v3 =	vperm.xlane v3, v2;
	v4 =	vadd.s32 v1, v4;
	_ =	sdelay $0x1  }
0xa7: {  	v3 =	vadd.s32 v1, v3;
	_ =	sdelay $0x2  }
0xa8: {  	[tilespmem:s28], [sflag:$0x3] =	stream.indirect_vreg.gather [hbm4b:s2+s3], $0x80, v4, vm0, $0xb8;
	[tilespmem:$0x10000] =	vst v63  }
0xa9: {  	_ = 	snop  }
0xaa: {  	[tilespmem:s29], [sflag:$0x3] =	stream.indirect_vreg.gather [hbm4b:s2+s3], $0x80, v3, vm0, $0xb8;
	[tilespmem:$0x10000] =	vst v63  }
0xab: {  	v3 =	vld.msk [tilespmem:s19+$0xFFFFFFF0], $0x3;
	_ =	sdelay $0x4  }
0xac: {  	v59 =	vshll.u32 v3, $0x1  }
0xad: {  	v3 =	vand.u32 $0x7, v3;
	v4 =	vand.u32 $0xFFFFFFF0, v59  }
0xae: {  	v3 =	vor.u32 v3, v4  }
0xaf: {  	v3 =	vperm.xlane v3, v0;
	_ =	sdelay $0x1  }
0xb0: {  	v3 =	vadd.s32 v1, v3;
	_ =	sdelay $0x4  }
0xb1: {  	[tilespmem:s30], [sflag:$0x3] =	stream.indirect_vreg.gather [hbm4b:s2+s3], $0x80, v3, vm1, $0xb8;
	[tilespmem:$0x10000] =	vst v63  }
0xb2: {  	_ =	swait.ge [sflag:s31], $0x3200  }
0xb3: {  	p0 =	seq.s32 s20, $0x0;
	[sflag:s31] =	ssyncset.done $0x0  }
0xb4: {  	s21 =	sadd.s32 s20, s7;
	s22 =	simm.s32 @!p0 $0x8;
	[sflag:s31] =	ssyncadd.s32 $0xFFFFCE00  }
0xb5: {  	[hbm4b:s21+s3] =	stream.linear.scatter [tilespmem:s9], [sflag:$0x5], $0x3800, $0x38;
	[tilespmem:$0x10000] =	vst v63  }
0xb6: {  	_ =	swait.ge @!p0 [sflag:s22], $0x3800  }
0xb7: {  	[sflag:s22] =	ssyncset.done @!p0 $0x0  }
0xb8: {  	[sflag:s22] =	ssyncadd.s32 @!p0 $0xFFFFC800  }
0xb9: {  	v3 =	vld [tilespmem:s19+$0x0];
	_ =	sdelay $0x4  }
0xba: {  	v60 =	vshll.u32 v3, $0x1  }
0xbb: {  	v3 =	vand.u32 $0x7, v3;
	v4 =	vand.u32 $0xFFFFFFF0, v60  }
0xbc: {  	v3 =	vor.u32 v3, v4  }
0xbd: {  	v4 =	vperm.xlane v3, v0;
	_ =	sdelay $0x1  }
0xbe: {  	v3 =	vperm.xlane v3, v2;
	v4 =	vadd.s32 v1, v4;
	_ =	sdelay $0x1  }
0xbf: {  	v3 =	vadd.s32 v1, v3;
	_ =	sdelay $0x2  }
0xc0: {  	[tilespmem:s0], [sflag:$0x4] =	stream.indirect_vreg.gather [hbm4b:s2+s3], $0x80, v4, vm0, $0xb8;
	[tilespmem:$0x10000] =	vst v63  }
0xc1: {  	_ = 	snop  }
0xc2: {  	[tilespmem:s1], [sflag:$0x4] =	stream.indirect_vreg.gather [hbm4b:s2+s3], $0x80, v3, vm0, $0xb8;
	[tilespmem:$0x10000] =	vst v63  }
0xc3: {  	v3 =	vld [tilespmem:s19+$0x10];
	_ =	sdelay $0x4  }
0xc4: {  	v61 =	vshll.u32 v3, $0x1  }
0xc5: {  	v3 =	vand.u32 $0x7, v3;
	v4 =	vand.u32 $0xFFFFFFF0, v61  }
0xc6: {  	v3 =	vor.u32 v3, v4  }
0xc7: {  	v4 =	vperm.xlane v3, v0;
	_ =	sdelay $0x1  }
0xc8: {  	v3 =	vperm.xlane v3, v2;
	v4 =	vadd.s32 v1, v4;
	_ =	sdelay $0x1  }
0xc9: {  	v3 =	vadd.s32 v1, v3;
	_ =	sdelay $0x2  }
0xca: {  	[tilespmem:s4], [sflag:$0x4] =	stream.indirect_vreg.gather [hbm4b:s2+s3], $0x80, v4, vm0, $0xb8;
	[tilespmem:$0x10000] =	vst v63  }
0xcb: {  	_ = 	snop  }
0xcc: {  	[tilespmem:s5], [sflag:$0x4] =	stream.indirect_vreg.gather [hbm4b:s2+s3], $0x80, v3, vm0, $0xb8;
	[tilespmem:$0x10000] =	vst v63  }
0xcd: {  	v3 =	vld [tilespmem:s19+$0x20];
	_ =	sdelay $0x4  }
0xce: {  	v62 =	vshll.u32 v3, $0x1  }
0xcf: {  	v3 =	vand.u32 $0x7, v3;
	v4 =	vand.u32 $0xFFFFFFF0, v62  }
0xd0: {  	v3 =	vor.u32 v3, v4  }
0xd1: {  	v4 =	vperm.xlane v3, v0;
	_ =	sdelay $0x1  }
0xd2: {  	v3 =	vperm.xlane v3, v2;
	v4 =	vadd.s32 v1, v4;
	_ =	sdelay $0x1  }
0xd3: {  	v3 =	vadd.s32 v1, v3;
	_ =	sdelay $0x2  }
0xd4: {  	[tilespmem:s8], [sflag:$0x4] =	stream.indirect_vreg.gather [hbm4b:s2+s3], $0x80, v4, vm0, $0xb8;
	[tilespmem:$0x10000] =	vst v63  }
0xd5: {  	_ = 	snop  }
0xd6: {  	[tilespmem:s10], [sflag:$0x4] =	stream.indirect_vreg.gather [hbm4b:s2+s3], $0x80, v3, vm0, $0xb8;
	[tilespmem:$0x10000] =	vst v63  }
0xd7: {  	v3 =	vld.msk [tilespmem:s19+$0x30], $0x3;
	_ =	sdelay $0x4  }
0xd8: {  	v63 =	vshll.u32 v3, $0x1  }
0xd9: {  	v3 =	vand.u32 $0x7, v3;
	v4 =	vand.u32 $0xFFFFFFF0, v63  }
0xda: {  	v3 =	vor.u32 v3, v4  }
0xdb: {  	v3 =	vperm.xlane v3, v0;
	_ =	sdelay $0x1  }
0xdc: {  	v3 =	vadd.s32 v1, v3;
	_ =	sdelay $0x3  }
0xdd: {  	p0 =	seq.s32 s20, $0x36400  }
0xde: {  	[tilespmem:s11], [sflag:$0x4] =	stream.indirect_vreg.gather [hbm4b:s2+s3], $0x80, v3, vm1, $0xb8;
	[tilespmem:$0x10000] =	vst v63  }
.Ltmp4:
0xdf: {  	_ = 	snop;
	(pc) =	sbr.rel @p0 .LBB2_4-.Ltmp4, $4  }
0xe0: {  	_ =	swait.ge [sflag:s12], $0x3200  }
0xe1: {  	[sflag:s12] =	ssyncset.done $0x0  }
0xe2: {  	s22 =	sadd.s32 $0x700, s21;
	[sflag:s12] =	ssyncadd.s32 $0xFFFFCE00  }
0xe3: {  	[hbm4b:s22+s3] =	stream.linear.scatter [tilespmem:s16], [sflag:$0x6], $0x3800, $0x38;
	[tilespmem:$0x10000] =	vst v63  }
0xe4: {  	_ =	swait.ge [sflag:s15], $0x3800  }
0xe5: {  	[sflag:s15] =	ssyncset.done $0x0  }
0xe6: {  	[sflag:s15] =	ssyncadd.s32 $0xFFFFC800  }
0xe7: {  	v3 =	vld [tilespmem:s19+$0x40];
	_ =	sdelay $0x4  }
0xe8: {  	v4 =	vshll.u32 v3, $0x1  }
0xe9: {  	v3 =	vand.u32 $0x7, v3;
	v4 =	vand.u32 $0xFFFFFFF0, v4  }
0xea: {  	v3 =	vor.u32 v3, v4  }
0xeb: {  	v4 =	vperm.xlane v3, v0;
	_ =	sdelay $0x1  }
0xec: {  	v3 =	vperm.xlane v3, v2;
	v4 =	vadd.s32 v1, v4;
	_ =	sdelay $0x1  }
0xed: {  	v3 =	vadd.s32 v1, v3;
	_ =	sdelay $0x2  }
0xee: {  	[tilespmem:s9], [sflag:$0x1] =	stream.indirect_vreg.gather [hbm4b:s2+s3], $0x80, v4, vm0, $0xb8;
	[tilespmem:$0x10000] =	vst v63  }
0xef: {  	s22 =	simm.s32 $0x2800  }
0xf0: {  	[tilespmem:s22], [sflag:$0x1] =	stream.indirect_vreg.gather [hbm4b:s2+s3], $0x80, v3, vm0, $0xb8;
	[tilespmem:$0x10000] =	vst v63  }
0xf1: {  	v3 =	vld [tilespmem:s19+$0x50];
	_ =	sdelay $0x4  }
0xf2: {  	v57 =	vshll.u32 v3, $0x1  }
0xf3: {  	v3 =	vand.u32 $0x7, v3;
	v4 =	vand.u32 $0xFFFFFFF0, v57  }
0xf4: {  	v3 =	vor.u32 v3, v4  }
0xf5: {  	v4 =	vperm.xlane v3, v0;
	_ =	sdelay $0x1  }
0xf6: {  	v3 =	vperm.xlane v3, v2;
	v4 =	vadd.s32 v1, v4;
	_ =	sdelay $0x1  }
0xf7: {  	v3 =	vadd.s32 v1, v3;
	_ =	sdelay $0x1  }
0xf8: {  	s22 =	simm.s32 $0x3000  }
0xf9: {  	[tilespmem:s22], [sflag:$0x1] =	stream.indirect_vreg.gather [hbm4b:s2+s3], $0x80, v4, vm0, $0xb8;
	[tilespmem:$0x10000] =	vst v63  }
0xfa: {  	s22 =	simm.s32 $0x3800  }
0xfb: {  	[tilespmem:s22], [sflag:$0x1] =	stream.indirect_vreg.gather [hbm4b:s2+s3], $0x80, v3, vm0, $0xb8;
	[tilespmem:$0x10000] =	vst v63  }
0xfc: {  	v3 =	vld [tilespmem:s19+$0x60];
	_ =	sdelay $0x4  }
0xfd: {  	v58 =	vshll.u32 v3, $0x1  }
0xfe: {  	v3 =	vand.u32 $0x7, v3;
	v4 =	vand.u32 $0xFFFFFFF0, v58  }
0xff: {  	v3 =	vor.u32 v3, v4  }
0x100: {  	v4 =	vperm.xlane v3, v0;
	_ =	sdelay $0x1  }
0x101: {  	v3 =	vperm.xlane v3, v2;
	v4 =	vadd.s32 v1, v4;
	_ =	sdelay $0x1  }
0x102: {  	v3 =	vadd.s32 v1, v3;
	_ =	sdelay $0x1  }
0x103: {  	s22 =	simm.s32 $0x4000  }
0x104: {  	[tilespmem:s22], [sflag:$0x1] =	stream.indirect_vreg.gather [hbm4b:s2+s3], $0x80, v4, vm0, $0xb8;
	[tilespmem:$0x10000] =	vst v63  }
0x105: {  	s22 =	simm.s32 $0x4800  }
0x106: {  	[tilespmem:s22], [sflag:$0x1] =	stream.indirect_vreg.gather [hbm4b:s2+s3], $0x80, v3, vm0, $0xb8;
	[tilespmem:$0x10000] =	vst v63  }
0x107: {  	v3 =	vld.msk [tilespmem:s19+$0x70], $0x3;
	_ =	sdelay $0x4  }
0x108: {  	v59 =	vshll.u32 v3, $0x1  }
0x109: {  	v3 =	vand.u32 $0x7, v3;
	v4 =	vand.u32 $0xFFFFFFF0, v59  }
0x10a: {  	v3 =	vor.u32 v3, v4  }
0x10b: {  	v3 =	vperm.xlane v3, v0;
	_ =	sdelay $0x1  }
0x10c: {  	v3 =	vadd.s32 v1, v3;
	_ =	sdelay $0x3  }
0x10d: {  	s22 =	simm.s32 $0x5000  }
0x10e: {  	[tilespmem:s22], [sflag:$0x1] =	stream.indirect_vreg.gather [hbm4b:s2+s3], $0x80, v3, vm1, $0xb8;
	[tilespmem:$0x10000] =	vst v63  }
0x10f: {  	_ =	swait.ge [sflag:s13], $0x3200  }
0x110: {  	[sflag:s13] =	ssyncset.done $0x0  }
0x111: {  	s22 =	sadd.s32 $0xE00, s21;
	[sflag:s13] =	ssyncadd.s32 $0xFFFFCE00  }
0x112: {  	[hbm4b:s22+s3] =	stream.linear.scatter [tilespmem:s23], [sflag:$0x7], $0x3800, $0x38;
	[tilespmem:$0x10000] =	vst v63  }
0x113: {  	_ =	swait.ge [sflag:s17], $0x3800  }
0x114: {  	[sflag:s17] =	ssyncset.done $0x0  }
0x115: {  	[sflag:s17] =	ssyncadd.s32 $0xFFFFC800  }
0x116: {  	v3 =	vld [tilespmem:s19+$0x80];
	_ =	sdelay $0x4  }
0x117: {  	v60 =	vshll.u32 v3, $0x1  }
0x118: {  	v3 =	vand.u32 $0x7, v3;
	v4 =	vand.u32 $0xFFFFFFF0, v60  }
0x119: {  	v3 =	vor.u32 v3, v4  }
0x11a: {  	v4 =	vperm.xlane v3, v0;
	_ =	sdelay $0x1  }
0x11b: {  	v3 =	vperm.xlane v3, v2;
	v4 =	vadd.s32 v1, v4;
	_ =	sdelay $0x1  }
0x11c: {  	v3 =	vadd.s32 v1, v3;
	_ =	sdelay $0x2  }
0x11d: {  	[tilespmem:s16], [sflag:$0x2] =	stream.indirect_vreg.gather [hbm4b:s2+s3], $0x80, v4, vm0, $0xb8;
	[tilespmem:$0x10000] =	vst v63  }
0x11e: {  	s22 =	simm.s32 $0x6000  }
0x11f: {  	[tilespmem:s22], [sflag:$0x2] =	stream.indirect_vreg.gather [hbm4b:s2+s3], $0x80, v3, vm0, $0xb8;
	[tilespmem:$0x10000] =	vst v63  }
0x120: {  	v3 =	vld [tilespmem:s19+$0x90];
	_ =	sdelay $0x4  }
0x121: {  	v61 =	vshll.u32 v3, $0x1  }
0x122: {  	v3 =	vand.u32 $0x7, v3;
	v4 =	vand.u32 $0xFFFFFFF0, v61  }
0x123: {  	v3 =	vor.u32 v3, v4  }
0x124: {  	v4 =	vperm.xlane v3, v0;
	_ =	sdelay $0x1  }
0x125: {  	v3 =	vperm.xlane v3, v2;
	v4 =	vadd.s32 v1, v4;
	_ =	sdelay $0x1  }
0x126: {  	v3 =	vadd.s32 v1, v3;
	_ =	sdelay $0x1  }
0x127: {  	s22 =	simm.s32 $0x6800  }
0x128: {  	[tilespmem:s22], [sflag:$0x2] =	stream.indirect_vreg.gather [hbm4b:s2+s3], $0x80, v4, vm0, $0xb8;
	[tilespmem:$0x10000] =	vst v63  }
0x129: {  	s22 =	simm.s32 $0x7000  }
0x12a: {  	[tilespmem:s22], [sflag:$0x2] =	stream.indirect_vreg.gather [hbm4b:s2+s3], $0x80, v3, vm0, $0xb8;
	[tilespmem:$0x10000] =	vst v63  }
0x12b: {  	v3 =	vld [tilespmem:s19+$0xA0];
	_ =	sdelay $0x4  }
0x12c: {  	v62 =	vshll.u32 v3, $0x1  }
0x12d: {  	v3 =	vand.u32 $0x7, v3;
	v4 =	vand.u32 $0xFFFFFFF0, v62  }
0x12e: {  	v3 =	vor.u32 v3, v4  }
0x12f: {  	v4 =	vperm.xlane v3, v0;
	_ =	sdelay $0x1  }
0x130: {  	v3 =	vperm.xlane v3, v2;
	v4 =	vadd.s32 v1, v4;
	_ =	sdelay $0x1  }
0x131: {  	v3 =	vadd.s32 v1, v3;
	_ =	sdelay $0x1  }
0x132: {  	s22 =	simm.s32 $0x7800  }
0x133: {  	[tilespmem:s22], [sflag:$0x2] =	stream.indirect_vreg.gather [hbm4b:s2+s3], $0x80, v4, vm0, $0xb8;
	[tilespmem:$0x10000] =	vst v63  }
0x134: {  	s22 =	simm.s32 $0x8000  }
0x135: {  	[tilespmem:s22], [sflag:$0x2] =	stream.indirect_vreg.gather [hbm4b:s2+s3], $0x80, v3, vm0, $0xb8;
	[tilespmem:$0x10000] =	vst v63  }
0x136: {  	v3 =	vld.msk [tilespmem:s19+$0xB0], $0x3;
	_ =	sdelay $0x4  }
0x137: {  	v63 =	vshll.u32 v3, $0x1  }
0x138: {  	v3 =	vand.u32 $0x7, v3;
	v4 =	vand.u32 $0xFFFFFFF0, v63  }
0x139: {  	v3 =	vor.u32 v3, v4  }
0x13a: {  	v3 =	vperm.xlane v3, v0;
	_ =	sdelay $0x1  }
0x13b: {  	v3 =	vadd.s32 v1, v3  }
.Ltmp5:
0x13c: {  	_ = 	snop;
	(pc) =	sbr.rel .LBB2_5-.Ltmp5, $3  }
0x13d: {  	_ =	sdelay $0x1  }
0x13e: {  	s22 =	simm.s32 $0x8800  }
0x13f: {  	[tilespmem:s22], [sflag:$0x2] =	stream.indirect_vreg.gather [hbm4b:s2+s3], $0x80, v3, vm1, $0xb8;
	[tilespmem:$0x10000] =	vst v63  }
.LBB2_7:
0x140: {  	_ =	sfence.sel $0x180000  }
0x141: {  	[bflag:$0x0] =	sbarrier.arrive $0xFFFF  }
0x142: {  	_ =	strace $0x9000004A  }
0x143: {  	s0 =	stileid.u32;
	[bflag:$0x2] =	sbarrier.arrive $0xFFFF  }
0x144: {  	p0 =	sne.s32 s0, $0x0;
	s0 =	rddreg [dreg:$0x2]  }
0x145: {  	s0 =	sadd.s32 @!p0 $0x100000, s0  }
0x146: {  	[sflag:s0] =	ssyncadd.tile.s32 @!p0 $0x1;
	_ =	shalt  }
.Lfunc_end2:
_tile_overlayer_lowered:
.L_overlay_start_2:
0x147: {  	(tag) =	ssettag $0x2  }
0x148: {  	s0 =	rddreg [dreg:$0x0];
	s2 =	stileid.u32  }
0x149: {  	s1 =	rddreg [dreg:$0x1];
	p0 =	sne.s32 s2, $0x0  }
0x14a: {  	s3 =	rddreg [dreg:$0x2];
	[bflag:$0x3] =	sbarrier.arrive $0xFFFF;
	s2 =	simm.s32 @!p0 $0x1C09  }
0x14b: {  	[timem:s3], [sflag:s2] =	dma.local @!p0 [hbm:s0], s1  }
0x14c: {  	s0 =	simm.s32 @!p0 $0x9  }
0x14d: {  	_ =	swait.ge @!p0 [sflag:s0], s1  }
0x14e: {  	s1 =	ssub.s32 @!p0 $0x0, s1;
	[sflag:s0] =	ssyncset.done @!p0 $0x0  }
0x14f: {  	[sflag:s0] =	ssyncadd.s32 @!p0 s1  }
0x150: {  	[bflag:$0x3] =	sbarrier.arrive $0xFFFF  }
0x151: {  	_ =	shalt  }

</sc_bundles>
